<compile_context>
chip_gen: v7x
topology: tpu7x:2x2x1
jax: 0.10.2.dev20260603
libtpu: 0.0.44.dev20260713+nightly
codegen_flags: <defaults>
</compile_context>

<pallas_src>
import functools

import jax
import jax.numpy as jnp
from jax import lax
from jax.experimental import pallas as pl
from jax.experimental.pallas import tpu as pltpu
from jax.experimental.pallas import tpu_sc as plsc

N = 10000
E = 160000
D = 256
H = 8
HF = D // H
HALF = D // 2
ROW = HALF + 16

NB = 2000
EB = 2000

B = 128
TAIL = 16
NBLK = 78
EPT = 10000
NPAD = 10240
RPT = 640
ZROWS = 128


def _proj_body(feat_ref, wqt_ref, wkt_ref, wvt_ref, bq_ref, bk_ref, bv_ref,
               q_ref, kv_ref):
    x = feat_ref[...]
    scale = HF ** -0.5
    q = jnp.dot(x, wqt_ref[...], preferred_element_type=jnp.float32)
    q_ref[...] = (q + bq_ref[0]) * scale
    k = jnp.dot(x, wkt_ref[...], preferred_element_type=jnp.float32)
    v = jnp.dot(x, wvt_ref[...], preferred_element_type=jnp.float32)
    kv_ref[...] = jnp.concatenate([k + bk_ref[0], v + bv_ref[0]], axis=1)


def _project(feat, wqt, wkt, wvt, bq2, bk2, bv2):
    grid = (2, N // NB)
    return pl.pallas_call(
        _proj_body,
        grid=grid,
        in_specs=[
            pl.BlockSpec((NB, D), lambda c, nb: (nb, 0)),
            pl.BlockSpec((D, HALF), lambda c, nb: (0, c)),
            pl.BlockSpec((D, HALF), lambda c, nb: (0, c)),
            pl.BlockSpec((D, HALF), lambda c, nb: (0, c)),
            pl.BlockSpec((1, 1, HALF), lambda c, nb: (c, 0, 0)),
            pl.BlockSpec((1, 1, HALF), lambda c, nb: (c, 0, 0)),
            pl.BlockSpec((1, 1, HALF), lambda c, nb: (c, 0, 0)),
        ],
        out_specs=[
            pl.BlockSpec((NB, HALF), lambda c, nb: (c * (N // NB) + nb, 0)),
            pl.BlockSpec((NB, D), lambda c, nb: (c * (N // NB) + nb, 0)),
        ],
        out_shape=[
            jax.ShapeDtypeStruct((2 * N, HALF), jnp.float32),
            jax.ShapeDtypeStruct((2 * N, D), jnp.float32),
        ],
        compiler_params=pltpu.CompilerParams(
            dimension_semantics=("parallel", "parallel")),
    )(feat, wqt, wkt, wvt, bq2, bk2, bv2)


def _gather_kernel(kv2, q2, src_hbm, dst_hbm, kvs_out, qd_out,
                   src_all, dst_all, idx_off, idx_off2, idx_off_b,
                   idx_off2_b, kvbuf, qbuf, kvbuf_b, qbuf_b,
                   idx_off_t, idx_off2_t, kvbuf_t, qbuf_t,
                   gsem0a, gsem0b, gsem1a, gsem1b,
                   wsem0a, wsem0b, wsem1a, wsem1b):
    c = lax.axis_index("c")
    s = lax.axis_index("s")
    row_off = (c * N).astype(jnp.int32)
    ebase = s * EPT
    obase = c * E + ebase

    h1 = pltpu.make_async_copy(src_hbm.at[pl.ds(ebase, EPT)], src_all, gsem0a)
    h2 = pltpu.make_async_copy(dst_hbm.at[pl.ds(ebase, EPT)], dst_all, gsem0b)
    h1.start()
    h2.start()
    h1.wait()
    h2.wait()

    def add_off(raw, roff, off, n):
        @pl.loop(0, n // 16)
        def _(i):
            off[pl.ds(i * 16, 16)] = raw[pl.ds(roff + i * 16, 16)] + row_off

    def idx_of(set_id):
        return (idx_off, idx_off2) if set_id == 0 else (idx_off_b, idx_off2_b)

    def bufs_of(set_id):
        return (kvbuf, qbuf) if set_id == 0 else (kvbuf_b, qbuf_b)

    def gsems_of(set_id):
        return (gsem0a, gsem0b) if set_id == 0 else (gsem1a, gsem1b)

    def wsems_of(set_id):
        return (wsem0a, wsem0b) if set_id == 0 else (wsem1a, wsem1b)

    def start_gathers(set_id, j):
        io, io2 = idx_of(set_id)
        kvb, qb = bufs_of(set_id)
        sa, sb = gsems_of(set_id)
        add_off(src_all, j * B, io, B)
        add_off(dst_all, j * B, io2, B)
        pltpu.make_async_copy(kv2.at[io], kvb, sa).start()
        pltpu.make_async_copy(q2.at[io2], qb, sb).start()

    def wait_gathers(set_id):
        io, io2 = idx_of(set_id)
        kvb, qb = bufs_of(set_id)
        sa, sb = gsems_of(set_id)
        pltpu.make_async_copy(kv2.at[io], kvb, sa).wait()
        pltpu.make_async_copy(q2.at[io2], qb, sb).wait()

    def start_writes(set_id, j):
        kvb, qb = bufs_of(set_id)
        sa, sb = wsems_of(set_id)
        ob = obase + j * B
        pltpu.make_async_copy(kvb, kvs_out.at[pl.ds(ob, B)], sa).start()
        pltpu.make_async_copy(qb, qd_out.at[pl.ds(ob, B)], sb).start()

    def wait_writes(set_id, j):
        kvb, qb = bufs_of(set_id)
        sa, sb = wsems_of(set_id)
        ob = obase + j * B
        pltpu.make_async_copy(kvb, kvs_out.at[pl.ds(ob, B)], sa).wait()
        pltpu.make_async_copy(qb, qd_out.at[pl.ds(ob, B)], sb).wait()

    start_gathers(0, 0)

    @pl.loop(0, NBLK, step=2)
    def _(jj):
        start_gathers(1, jj + 1)
        wait_gathers(0)
        start_writes(0, jj)
        wait_gathers(1)
        start_writes(1, jj + 1)
        wait_writes(0, jj)

        @pl.when(jj + 2 < NBLK)
        def _():
            start_gathers(0, jj + 2)

        wait_writes(1, jj + 1)

    loff = NBLK * B
    add_off(src_all, loff, idx_off_t, TAIL)
    add_off(dst_all, loff, idx_off2_t, TAIL)
    g1 = pltpu.make_async_copy(kv2.at[idx_off_t], kvbuf_t, gsem0a)
    g2 = pltpu.make_async_copy(q2.at[idx_off2_t], qbuf_t, gsem0b)
    g1.start()
    g2.start()
    g1.wait()
    g2.wait()
    ob = obase + loff
    w1 = pltpu.make_async_copy(kvbuf_t, kvs_out.at[pl.ds(ob, TAIL)], wsem0a)
    w2 = pltpu.make_async_copy(qbuf_t, qd_out.at[pl.ds(ob, TAIL)], wsem0b)
    w1.start()
    w2.start()
    w1.wait()
    w2.wait()


def _gather(kv2, q2, src, dst):
    mesh = plsc.VectorSubcoreMesh(core_axis_name="c", subcore_axis_name="s")
    kern = pl.kernel(
        _gather_kernel,
        out_type=[
            jax.ShapeDtypeStruct((2 * E, D), jnp.float32),
            jax.ShapeDtypeStruct((2 * E, HALF), jnp.float32),
        ],
        mesh=mesh,
        scratch_types=[
            pltpu.VMEM((EPT,), jnp.int32),
            pltpu.VMEM((EPT,), jnp.int32),
            pltpu.VMEM((B,), jnp.int32),
            pltpu.VMEM((B,), jnp.int32),
            pltpu.VMEM((B,), jnp.int32),
            pltpu.VMEM((B,), jnp.int32),
            pltpu.VMEM((B, D), jnp.float32),
            pltpu.VMEM((B, HALF), jnp.float32),
            pltpu.VMEM((B, D), jnp.float32),
            pltpu.VMEM((B, HALF), jnp.float32),
            pltpu.VMEM((TAIL,), jnp.int32),
            pltpu.VMEM((TAIL,), jnp.int32),
            pltpu.VMEM((TAIL, D), jnp.float32),
            pltpu.VMEM((TAIL, HALF), jnp.float32),
            pltpu.SemaphoreType.DMA,
            pltpu.SemaphoreType.DMA,
            pltpu.SemaphoreType.DMA,
            pltpu.SemaphoreType.DMA,
            pltpu.SemaphoreType.DMA,
            pltpu.SemaphoreType.DMA,
            pltpu.SemaphoreType.DMA,
            pltpu.SemaphoreType.DMA,
        ],
    )
    return kern(kv2, q2, src, dst)


def _edge_body(kvs_ref, qd_ref, hsum_ref, hexp_ref, out_ref):
    kvs = kvs_ref[...]
    ks = kvs[:, :HALF]
    vs = kvs[:, HALF:]
    qd = qd_ref[...]
    s = jnp.dot(ks * qd, hsum_ref[...],
                preferred_element_type=jnp.float32)
    ex = jnp.exp(s)
    exb = jnp.dot(ex, hexp_ref[...],
                  preferred_element_type=jnp.float32)
    vs1 = jnp.concatenate(
        [vs, jnp.ones((EB, 16), jnp.float32)], axis=1)
    out_ref[...] = vs1 * exb


def _edge_math(kvsrc, qdst, hsum, hexp):
    grid = (2 * E // EB,)
    return pl.pallas_call(
        _edge_body,
        grid=grid,
        in_specs=[
            pl.BlockSpec((EB, D), lambda e: (e, 0)),
            pl.BlockSpec((EB, HALF), lambda e: (e, 0)),
            pl.BlockSpec((HALF, 16), lambda e: (0, 0)),
            pl.BlockSpec((16, ROW), lambda e: (0, 0)),
        ],
        out_specs=pl.BlockSpec((EB, ROW), lambda e: (e, 0)),
        out_shape=jax.ShapeDtypeStruct((2 * E, ROW), jnp.float32),
        compiler_params=pltpu.CompilerParams(
            dimension_semantics=("parallel",)),
    )(kvsrc, qdst, hsum, hexp)


def _scatter_kernel(msg_hbm, dst_hbm, out0_hbm, out1_hbm, shared, idxd, mbuf,
                    idxd_b, mbuf_b, idxd_t, sema, semb, semc, semd):
    c = lax.axis_index("c")
    s = lax.axis_index("s")
    ebase = s * EPT
    mbase = c * E + ebase
    rbase = s * RPT

    @pl.loop(0, ZROWS)
    def _(r):
        @pl.loop(0, ROW // 16)
        def _(kk):
            mbuf[r, pl.ds(kk * 16, 16)] = jnp.zeros((16,), jnp.float32)

    @pl.loop(0, RPT // ZROWS)
    def _(ch):
        pltpu.sync_copy(mbuf, shared.at[pl.ds(rbase + ch * ZROWS, ZROWS)])

    plsc.subcore_barrier()

    def sbufs(set_id):
        return (idxd, mbuf, sema, semb) if set_id == 0 \
            else (idxd_b, mbuf_b, semc, semd)

    def start_loads(set_id, j):
        i, m, sa, sb = sbufs(set_id)
        pltpu.make_async_copy(dst_hbm.at[pl.ds(ebase + j * B, B)],
                              i, sa).start()
        pltpu.make_async_copy(msg_hbm.at[pl.ds(mbase + j * B, B)],
                              m, sb).start()

    def wait_loads(set_id, j):
        i, m, sa, sb = sbufs(set_id)
        pltpu.make_async_copy(dst_hbm.at[pl.ds(ebase + j * B, B)],
                              i, sa).wait()
        pltpu.make_async_copy(msg_hbm.at[pl.ds(mbase + j * B, B)],
                              m, sb).wait()

    start_loads(0, 0)

    @pl.loop(0, NBLK, step=2)
    def _(jj):
        start_loads(1, jj + 1)
        wait_loads(0, jj)
        pltpu.sync_copy(mbuf, shared.at[idxd], add=True)
        wait_loads(1, jj + 1)

        @pl.when(jj + 2 < NBLK)
        def _():
            start_loads(0, jj + 2)

        pltpu.sync_copy(mbuf_b, shared.at[idxd_b], add=True)

    pltpu.sync_copy(dst_hbm.at[pl.ds(ebase + NBLK * B, TAIL)], idxd_t)
    pltpu.sync_copy(msg_hbm.at[pl.ds(mbase + NBLK * B, TAIL)],
                    mbuf.at[pl.ds(0, TAIL)])
    pltpu.sync_copy(mbuf.at[pl.ds(0, TAIL)], shared.at[idxd_t], add=True)

    plsc.subcore_barrier()

    @pl.loop(0, RPT // ZROWS)
    def _(ch):
        r0 = rbase + ch * ZROWS
        pltpu.sync_copy(shared.at[pl.ds(r0, ZROWS)], mbuf)

        @pl.when(c == 0)
        def _():
            pltpu.sync_copy(mbuf, out0_hbm.at[pl.ds(r0, ZROWS)])

        @pl.when(c == 1)
        def _():
            pltpu.sync_copy(mbuf, out1_hbm.at[pl.ds(r0, ZROWS)])


def _scatter(msg, dst):
    mesh = plsc.VectorSubcoreMesh(core_axis_name="c", subcore_axis_name="s")
    out = jax.ShapeDtypeStruct((NPAD, ROW), jnp.float32)
    kern = pl.kernel(
        _scatter_kernel,
        out_type=[out, out],
        mesh=mesh,
        compiler_params=pltpu.CompilerParams(use_tc_tiling_on_sc=False),
        scratch_types=[
            pltpu.VMEM_SHARED((NPAD, ROW), jnp.float32),
            pltpu.VMEM((B,), jnp.int32),
            pltpu.VMEM((B, ROW), jnp.float32),
            pltpu.VMEM((B,), jnp.int32),
            pltpu.VMEM((B, ROW), jnp.float32),
            pltpu.VMEM((TAIL,), jnp.int32),
            pltpu.SemaphoreType.DMA,
            pltpu.SemaphoreType.DMA,
            pltpu.SemaphoreType.DMA,
            pltpu.SemaphoreType.DMA,
        ],
    )
    return kern(msg, dst)


def _outproj_body(alo_ref, ahi_ref, wot_ref, bo_ref, out_ref):
    alo = alo_ref[...]
    ahi = ahi_ref[...]
    d = jnp.concatenate([alo[:, HALF:HALF + 4], ahi[:, HALF:HALF + 4]],
                        axis=1)
    d = jnp.where(d > 0.0, d, 1.0)
    x = jnp.concatenate([
        (alo[:, :HALF].reshape(NB, 4, HF) / d[:, :4, None]).reshape(NB, HALF),
        (ahi[:, :HALF].reshape(NB, 4, HF) / d[:, 4:, None]).reshape(NB, HALF),
    ], axis=1)
    y = jnp.dot(x, wot_ref[...], preferred_element_type=jnp.float32)
    out_ref[...] = y + bo_ref[...]


def _outproj(agg0, agg1, wot, bo2):
    grid = (N // NB,)
    return pl.pallas_call(
        _outproj_body,
        grid=grid,
        in_specs=[
            pl.BlockSpec((NB, ROW), lambda nb: (nb, 0)),
            pl.BlockSpec((NB, ROW), lambda nb: (nb, 0)),
            pl.BlockSpec((D, D), lambda nb: (0, 0)),
            pl.BlockSpec((1, D), lambda nb: (0, 0)),
        ],
        out_specs=pl.BlockSpec((NB, D), lambda nb: (nb, 0)),
        out_shape=jax.ShapeDtypeStruct((N, D), jnp.float32),
        compiler_params=pltpu.CompilerParams(
            dimension_semantics=("arbitrary",)),
    )(agg0, agg1, wot, bo2)


@jax.jit
def _run(feat, edge_index, Wq, bq, Wk, bk, Wv, bv, Wo, bo):
    src = edge_index[0]
    dst = edge_index[1]
    q2, kv2 = _project(feat, Wq.T, Wk.T, Wv.T,
                       bq.reshape(2, 1, HALF), bk.reshape(2, 1, HALF),
                       bv.reshape(2, 1, HALF))
    kvsrc, qdst = _gather(kv2, q2, src, dst)
    cols = jnp.arange(HALF, dtype=jnp.int32) // HF
    hsum = (cols[:, None] == jnp.arange(16, dtype=jnp.int32)[None, :]
            ).astype(jnp.float32)
    j = jnp.arange(ROW, dtype=jnp.int32)
    band = jnp.where(j < HALF, j // HF, j - HALF)
    h16 = jnp.arange(16, dtype=jnp.int32)
    hexp = ((h16[:, None] == band[None, :]) & (h16 < 4)[:, None]
            ).astype(jnp.float32)
    msg = _edge_math(kvsrc, qdst, hsum, hexp)
    agg0, agg1 = _scatter(msg, dst)
    return _outproj(agg0, agg1, Wo.T, bo.reshape(1, D))


def kernel(feat, edge_index, Wq, bq, Wk, bk, Wv, bv, Wo, bo):
    return _run(feat, edge_index, Wq, bq, Wk, bk, Wv, bv, Wo, bo)

# --- scband reference (transcript-rebuilt; emitter-appended) ---
"""Pipeline reference for scband-multi-head-attention-22445499089016 (READ-ONLY COPY).

The authoritative reference and input builder live on the scoring server;
editing this copy changes nothing except your own understanding.
"""

import jax, jax.numpy as jnp
import numpy as np

N = 10000
E = 160000
D = 256
H = 8
HF = D // H


def setup_inputs(seed: int = 0) -> dict:
    key = jax.random.key(seed)
    ks = jax.random.split(key, 12)
    feat = jax.random.normal(ks[0], (N, D), dtype=jnp.float32)
    edge_index = jax.random.randint(ks[1], (2, E), 0, N, dtype=jnp.int32)
    Wq = jax.random.normal(ks[2], (D, D), dtype=jnp.float32) * 0.02
    bq = jnp.zeros((D,), dtype=jnp.float32)
    Wk = jax.random.normal(ks[3], (D, D), dtype=jnp.float32) * 0.02
    bk = jnp.zeros((D,), dtype=jnp.float32)
    Wv = jax.random.normal(ks[4], (D, D), dtype=jnp.float32) * 0.02
    bv = jnp.zeros((D,), dtype=jnp.float32)
    Wo = jax.random.normal(ks[5], (D, D), dtype=jnp.float32) * 0.02
    bo = jnp.zeros((D,), dtype=jnp.float32)
    return {"feat": feat, "edge_index": edge_index, "Wq": Wq, "bq": bq,
            "Wk": Wk, "bk": bk, "Wv": Wv, "bv": bv, "Wo": Wo, "bo": bo}


def reference(feat, edge_index, Wq, bq, Wk, bk, Wv, bv, Wo, bo):
    n = feat.shape[0]
    src = edge_index[0]
    dst = edge_index[1]
    scale = HF ** (-0.5)
    # projections (torch nn.Linear: y = x @ W.T + b)
    q = (feat @ Wq.T + bq) * scale
    k = feat @ Wk.T + bk
    v = feat @ Wv.T + bv
    q = q.reshape(n, H, HF)
    k = k.reshape(n, H, HF)
    v = v.reshape(n, H, HF)
    # u_dot_v('keys','queries'): per-edge per-head dot product k[src] . q[dst]
    scores = jnp.sum(k[src] * q[dst], axis=-1)  # [E, H]
    # edge_softmax over incoming edges of each dst node
    smax = jax.ops.segment_max(scores, dst, num_segments=n)  # [N, H]
    smax = jnp.where(jnp.isfinite(smax), smax, 0.0)
    ex = jnp.exp(scores - smax[dst])
    denom = jax.ops.segment_sum(ex, dst, num_segments=n)  # [N, H]
    attn = ex / denom[dst]
    # u_mul_e + sum reduce: weighted message aggregation to dst nodes
    msg = v[src] * attn[:, :, None]  # [E, H, HF]
    agg = jax.ops.segment_sum(msg, dst, num_segments=n)  # [N, H, HF]
    out = agg.reshape(n, D) @ Wo.T + bo
    return out

if __name__ == "__main__":
    import jax
    _d = setup_inputs()
    print(jax.jit(kernel)(*tuple(_d.values())))

</pallas_src>

<mosaic_0001>
#map = affine_map<(d0, d1) -> (0, 0)>
#map1 = affine_map<(d0, d1) -> (0)>
module attributes {stable_mosaic.version = 14 : i64} {
  func.func @_gather_kernel(%arg0: i32, %arg1: i32, %arg2: memref<20000x256xf32, #tpu.memory_space<hbm>>, %arg3: memref<20000x128xf32, #tpu.memory_space<hbm>>, %arg4: memref<160000xi32, #tpu.memory_space<hbm>>, %arg5: memref<160000xi32, #tpu.memory_space<hbm>>, %arg6: memref<320000x256xf32, #tpu.memory_space<hbm>>, %arg7: memref<320000x128xf32, #tpu.memory_space<hbm>>, %arg8: memref<10000xi32, #tpu.memory_space<vmem>>, %arg9: memref<10000xi32, #tpu.memory_space<vmem>>, %arg10: memref<128xi32, #tpu.memory_space<vmem>>, %arg11: memref<128xi32, #tpu.memory_space<vmem>>, %arg12: memref<128xi32, #tpu.memory_space<vmem>>, %arg13: memref<128xi32, #tpu.memory_space<vmem>>, %arg14: memref<128x256xf32, #tpu.memory_space<vmem>>, %arg15: memref<128x128xf32, #tpu.memory_space<vmem>>, %arg16: memref<128x256xf32, #tpu.memory_space<vmem>>, %arg17: memref<128x128xf32, #tpu.memory_space<vmem>>, %arg18: memref<16xi32, #tpu.memory_space<vmem>>, %arg19: memref<16xi32, #tpu.memory_space<vmem>>, %arg20: memref<16x256xf32, #tpu.memory_space<vmem>>, %arg21: memref<16x128xf32, #tpu.memory_space<vmem>>, %arg22: memref<!tpu.dma_semaphore, #tpu.memory_space<semaphore_mem>>, %arg23: memref<!tpu.dma_semaphore, #tpu.memory_space<semaphore_mem>>, %arg24: memref<!tpu.dma_semaphore, #tpu.memory_space<semaphore_mem>>, %arg25: memref<!tpu.dma_semaphore, #tpu.memory_space<semaphore_mem>>, %arg26: memref<!tpu.dma_semaphore, #tpu.memory_space<semaphore_mem>>, %arg27: memref<!tpu.dma_semaphore, #tpu.memory_space<semaphore_mem>>, %arg28: memref<!tpu.dma_semaphore, #tpu.memory_space<semaphore_mem>>, %arg29: memref<!tpu.dma_semaphore, #tpu.memory_space<semaphore_mem>>) attributes {dimension_semantics = [#tpu.dimension_semantics<core_parallel>, #tpu.dimension_semantics<subcore_parallel>], iteration_bounds = array<i64: 2, 16>, scalar_prefetch = 0 : i64, scratch_operands = 22 : i64, tpu.core_type = #tpu.core_type<sc_vector_subcore>, window_params = [{transform_indices = #map}, {transform_indices = #map}, {transform_indices = #map1}, {transform_indices = #map1}, {transform_indices = #map}, {transform_indices = #map}]} {
    %mul3A = arith.constant 10000 : i32
    %mul3A_0 = arith.muli %arg0, %mul3A : i32
    %mul3A_1 = arith.constant 10000 : i32
    %mul3A_2 = arith.muli %arg1, %mul3A_1 : i32
    %mul3A_3 = arith.constant 160000 : i32
    %mul3A_4 = arith.muli %arg0, %mul3A_3 : i32
    %add3A = arith.addi %mul3A_4, %mul3A_2 : i32
    %dma_start3A = tpu.memref_slice %arg4[%mul3A_2] : memref<160000xi32, #tpu.memory_space<hbm>> -> memref<10000xi32, #tpu.memory_space<hbm>>
    %dma_start3A_5 = tpu.memref_slice %arg4[%mul3A_2] : memref<160000xi32, #tpu.memory_space<hbm>> -> memref<10000xi32, #tpu.memory_space<hbm>>
    tpu.enqueue_dma source(%dma_start3A_5 : memref<10000xi32, #tpu.memory_space<hbm>>) target(%arg8 : memref<10000xi32, #tpu.memory_space<vmem>>) target_semaphore(%arg22 : memref<!tpu.dma_semaphore, #tpu.memory_space<semaphore_mem>>)
    %dma_start3A_6 = tpu.memref_slice %arg5[%mul3A_2] : memref<160000xi32, #tpu.memory_space<hbm>> -> memref<10000xi32, #tpu.memory_space<hbm>>
    %dma_start3A_7 = tpu.memref_slice %arg5[%mul3A_2] : memref<160000xi32, #tpu.memory_space<hbm>> -> memref<10000xi32, #tpu.memory_space<hbm>>
    tpu.enqueue_dma source(%dma_start3A_7 : memref<10000xi32, #tpu.memory_space<hbm>>) target(%arg9 : memref<10000xi32, #tpu.memory_space<vmem>>) target_semaphore(%arg23 : memref<!tpu.dma_semaphore, #tpu.memory_space<semaphore_mem>>)
    %dma_wait3A = tpu.memref_slice %arg4[%mul3A_2] : memref<160000xi32, #tpu.memory_space<hbm>> -> memref<10000xi32, #tpu.memory_space<hbm>>
    %dma_wait3A_8 = tpu.memref_slice %arg4[%mul3A_2] : memref<160000xi32, #tpu.memory_space<hbm>> -> memref<10000xi32, #tpu.memory_space<hbm>>
    tpu.wait_dma2 semaphore(%arg22 : memref<!tpu.dma_semaphore, #tpu.memory_space<semaphore_mem>>) src(%dma_wait3A_8 : memref<10000xi32, #tpu.memory_space<hbm>>) dst(%arg8 : memref<10000xi32, #tpu.memory_space<vmem>>)
    %dma_wait3A_9 = tpu.memref_slice %arg5[%mul3A_2] : memref<160000xi32, #tpu.memory_space<hbm>> -> memref<10000xi32, #tpu.memory_space<hbm>>
    %dma_wait3A_10 = tpu.memref_slice %arg5[%mul3A_2] : memref<160000xi32, #tpu.memory_space<hbm>> -> memref<10000xi32, #tpu.memory_space<hbm>>
    tpu.wait_dma2 semaphore(%arg23 : memref<!tpu.dma_semaphore, #tpu.memory_space<semaphore_mem>>) src(%dma_wait3A_10 : memref<10000xi32, #tpu.memory_space<hbm>>) dst(%arg9 : memref<10000xi32, #tpu.memory_space<vmem>>)
    %scan3A = arith.constant 0 : i32
    %scan3A_11 = arith.constant 8 : i32
    %scan3A_12 = arith.addi %scan3A, %scan3A_11 : i32
    %scan3A_13 = arith.constant 1 : i32
    scf.for %scan3A_101 = %scan3A to %scan3A_12 step %scan3A_13  : i32 {
      %mul3A_102 = arith.constant 1 : i32
      %mul3A_103 = arith.muli %scan3A_101, %mul3A_102 : i32
      %add3A_104 = arith.constant 0 : i32
      %add3A_105 = arith.addi %add3A_104, %mul3A_103 : i32
      %mul3A_106 = arith.constant 16 : i32
      %mul3A_107 = arith.muli %add3A_105, %mul3A_106 : i32
      %add3A_108 = arith.constant 0 : i32
      %add3A_109 = arith.addi %add3A_108, %mul3A_107 : i32
      %get3A_110 = arith.index_cast %add3A_109 : i32 to index
      %get3A_111 = tpu.vector_load %arg8[%get3A_110] {strides = array<i32>} : memref<10000xi32, #tpu.memory_space<vmem>>, vector<16xi32>,
      %get3A_112 = vector.shape_cast %get3A_111 : vector<16xi32> to vector<16xi32>
      %add3A_113 = vector.broadcast %mul3A_0 : i32 to vector<16xi32>
      %add3A_114 = arith.addi %get3A_112, %add3A_113 : vector<16xi32>
      %mul3A_115 = arith.constant 16 : i32
      %mul3A_116 = arith.muli %add3A_105, %mul3A_115 : i32
      %swap3A_117 = arith.index_cast %mul3A_116 : i32 to index
      %swap3A_118 = tpu.vector_load %arg10[%swap3A_117] {strides = array<i32>} : memref<128xi32, #tpu.memory_space<vmem>>, vector<16xi32>,
      %swap3A_119 = vector.shape_cast %swap3A_118 : vector<16xi32> to vector<16xi32>
      %swap3A_120 = vector.shape_cast %add3A_114 : vector<16xi32> to vector<16xi32>
      tpu.vector_store %arg10[%swap3A_117], %swap3A_120 {strides = array<i32>} : memref<128xi32, #tpu.memory_space<vmem>>, vector<16xi32>,
    }
    %scan3A_14 = arith.constant 8 : i32
    %scan3A_15 = arith.constant 0 : i32
    %scan3A_16 = arith.constant 8 : i32
    %scan3A_17 = arith.addi %scan3A_15, %scan3A_16 : i32
    %scan3A_18 = arith.constant 1 : i32
    scf.for %scan3A_101 = %scan3A_15 to %scan3A_17 step %scan3A_18  : i32 {
      %mul3A_102 = arith.constant 1 : i32
      %mul3A_103 = arith.muli %scan3A_101, %mul3A_102 : i32
      %add3A_104 = arith.constant 0 : i32
      %add3A_105 = arith.addi %add3A_104, %mul3A_103 : i32
      %mul3A_106 = arith.constant 16 : i32
      %mul3A_107 = arith.muli %add3A_105, %mul3A_106 : i32
      %add3A_108 = arith.constant 0 : i32
      %add3A_109 = arith.addi %add3A_108, %mul3A_107 : i32
      %get3A_110 = arith.index_cast %add3A_109 : i32 to index
      %get3A_111 = tpu.vector_load %arg9[%get3A_110] {strides = array<i32>} : memref<10000xi32, #tpu.memory_space<vmem>>, vector<16xi32>,
      %get3A_112 = vector.shape_cast %get3A_111 : vector<16xi32> to vector<16xi32>
      %add3A_113 = vector.broadcast %mul3A_0 : i32 to vector<16xi32>
      %add3A_114 = arith.addi %get3A_112, %add3A_113 : vector<16xi32>
      %mul3A_115 = arith.constant 16 : i32
      %mul3A_116 = arith.muli %add3A_105, %mul3A_115 : i32
      %swap3A_117 = arith.index_cast %mul3A_116 : i32 to index
      %swap3A_118 = tpu.vector_load %arg11[%swap3A_117] {strides = array<i32>} : memref<128xi32, #tpu.memory_space<vmem>>, vector<16xi32>,
      %swap3A_119 = vector.shape_cast %swap3A_118 : vector<16xi32> to vector<16xi32>
      %swap3A_120 = vector.shape_cast %add3A_114 : vector<16xi32> to vector<16xi32>
      tpu.vector_store %arg11[%swap3A_117], %swap3A_120 {strides = array<i32>} : memref<128xi32, #tpu.memory_space<vmem>>, vector<16xi32>,
    }
    %scan3A_19 = arith.constant 8 : i32
    %dma_start3A_20 = arith.constant 0 : i32
    %dma_start3A_21 = arith.constant 0 : i32
    %dma_start3A_22 = tpu.memref_slice %arg2[%dma_start3A_20, %dma_start3A_21] : memref<20000x256xf32, #tpu.memory_space<hbm>> -> memref<20000x256xf32, #tpu.memory_space<hbm>>
    tpu.enqueue_indirect_dma source(%dma_start3A_22 : memref<20000x256xf32, #tpu.memory_space<hbm>>) target(%arg14 : memref<128x256xf32, #tpu.memory_space<vmem>>) offsets(%arg10 : memref<128xi32, #tpu.memory_space<vmem>>) semaphore(%arg22 : memref<!tpu.dma_semaphore, #tpu.memory_space<semaphore_mem>>)
    %dma_start3A_23 = arith.constant 0 : i32
    %dma_start3A_24 = arith.constant 0 : i32
    %dma_start3A_25 = tpu.memref_slice %arg3[%dma_start3A_23, %dma_start3A_24] : memref<20000x128xf32, #tpu.memory_space<hbm>> -> memref<20000x128xf32, #tpu.memory_space<hbm>>
    tpu.enqueue_indirect_dma source(%dma_start3A_25 : memref<20000x128xf32, #tpu.memory_space<hbm>>) target(%arg15 : memref<128x128xf32, #tpu.memory_space<vmem>>) offsets(%arg11 : memref<128xi32, #tpu.memory_space<vmem>>) semaphore(%arg23 : memref<!tpu.dma_semaphore, #tpu.memory_space<semaphore_mem>>)
    %scan3A_26 = arith.constant 0 : i32
    %scan3A_27 = arith.constant 39 : i32
    %scan3A_28 = arith.addi %scan3A_26, %scan3A_27 : i32
    %scan3A_29 = arith.constant 1 : i32
    scf.for %scan3A_101 = %scan3A_26 to %scan3A_28 step %scan3A_29  : i32 {
      %mul3A_102 = arith.constant 2 : i32
      %mul3A_103 = arith.muli %scan3A_101, %mul3A_102 : i32
      %add3A_104 = arith.constant 0 : i32
      %add3A_105 = arith.addi %add3A_104, %mul3A_103 : i32
      %add3A_106 = arith.constant 1 : i32
      %add3A_107 = arith.addi %add3A_105, %add3A_106 : i32
      %mul3A_108 = arith.constant 128 : i32
      %mul3A_109 = arith.muli %add3A_107, %mul3A_108 : i32
      %scan3A_110 = arith.constant 0 : i32
      %scan3A_111 = arith.constant 8 : i32
      %scan3A_112 = arith.addi %scan3A_110, %scan3A_111 : i32
      %scan3A_113 = arith.constant 1 : i32
      scf.for %scan3A_192 = %scan3A_110 to %scan3A_112 step %scan3A_113  : i32 {
        %mul3A_193 = arith.constant 1 : i32
        %mul3A_194 = arith.muli %scan3A_192, %mul3A_193 : i32
        %add3A_195 = arith.constant 0 : i32
        %add3A_196 = arith.addi %add3A_195, %mul3A_194 : i32
        %mul3A_197 = arith.constant 16 : i32
        %mul3A_198 = arith.muli %add3A_196, %mul3A_197 : i32
        %add3A_199 = arith.addi %mul3A_109, %mul3A_198 : i32
        %get3A_200 = arith.index_cast %add3A_199 : i32 to index
        %get3A_201 = tpu.vector_load %arg8[%get3A_200] {strides = array<i32>} : memref<10000xi32, #tpu.memory_space<vmem>>, vector<16xi32>,
        %get3A_202 = vector.shape_cast %get3A_201 : vector<16xi32> to vector<16xi32>
        %add3A_203 = vector.broadcast %mul3A_0 : i32 to vector<16xi32>
        %add3A_204 = arith.addi %get3A_202, %add3A_203 : vector<16xi32>
        %mul3A_205 = arith.constant 16 : i32
        %mul3A_206 = arith.muli %add3A_196, %mul3A_205 : i32
        %swap3A_207 = arith.index_cast %mul3A_206 : i32 to index
        %swap3A_208 = tpu.vector_load %arg12[%swap3A_207] {strides = array<i32>} : memref<128xi32, #tpu.memory_space<vmem>>, vector<16xi32>,
        %swap3A_209 = vector.shape_cast %swap3A_208 : vector<16xi32> to vector<16xi32>
        %swap3A_210 = vector.shape_cast %add3A_204 : vector<16xi32> to vector<16xi32>
        tpu.vector_store %arg12[%swap3A_207], %swap3A_210 {strides = array<i32>} : memref<128xi32, #tpu.memory_space<vmem>>, vector<16xi32>,
      }
      %scan3A_114 = arith.constant 8 : i32
      %mul3A_115 = arith.constant 128 : i32
      %mul3A_116 = arith.muli %add3A_107, %mul3A_115 : i32
      %scan3A_117 = arith.constant 0 : i32
      %scan3A_118 = arith.constant 8 : i32
      %scan3A_119 = arith.addi %scan3A_117, %scan3A_118 : i32
      %scan3A_120 = arith.constant 1 : i32
      scf.for %scan3A_192 = %scan3A_117 to %scan3A_119 step %scan3A_120  : i32 {
        %mul3A_193 = arith.constant 1 : i32
        %mul3A_194 = arith.muli %scan3A_192, %mul3A_193 : i32
        %add3A_195 = arith.constant 0 : i32
        %add3A_196 = arith.addi %add3A_195, %mul3A_194 : i32
        %mul3A_197 = arith.constant 16 : i32
        %mul3A_198 = arith.muli %add3A_196, %mul3A_197 : i32
        %add3A_199 = arith.addi %mul3A_116, %mul3A_198 : i32
        %get3A_200 = arith.index_cast %add3A_199 : i32 to index
        %get3A_201 = tpu.vector_load %arg9[%get3A_200] {strides = array<i32>} : memref<10000xi32, #tpu.memory_space<vmem>>, vector<16xi32>,
        %get3A_202 = vector.shape_cast %get3A_201 : vector<16xi32> to vector<16xi32>
        %add3A_203 = vector.broadcast %mul3A_0 : i32 to vector<16xi32>
        %add3A_204 = arith.addi %get3A_202, %add3A_203 : vector<16xi32>
        %mul3A_205 = arith.constant 16 : i32
        %mul3A_206 = arith.muli %add3A_196, %mul3A_205 : i32
        %swap3A_207 = arith.index_cast %mul3A_206 : i32 to index
        %swap3A_208 = tpu.vector_load %arg13[%swap3A_207] {strides = array<i32>} : memref<128xi32, #tpu.memory_space<vmem>>, vector<16xi32>,
        %swap3A_209 = vector.shape_cast %swap3A_208 : vector<16xi32> to vector<16xi32>
        %swap3A_210 = vector.shape_cast %add3A_204 : vector<16xi32> to vector<16xi32>
        tpu.vector_store %arg13[%swap3A_207], %swap3A_210 {strides = array<i32>} : memref<128xi32, #tpu.memory_space<vmem>>, vector<16xi32>,
      }
      %scan3A_121 = arith.constant 8 : i32
      %dma_start3A_122 = arith.constant 0 : i32
      %dma_start3A_123 = arith.constant 0 : i32
      %dma_start3A_124 = tpu.memref_slice %arg2[%dma_start3A_122, %dma_start3A_123] : memref<20000x256xf32, #tpu.memory_space<hbm>> -> memref<20000x256xf32, #tpu.memory_space<hbm>>
      tpu.enqueue_indirect_dma source(%dma_start3A_124 : memref<20000x256xf32, #tpu.memory_space<hbm>>) target(%arg16 : memref<128x256xf32, #tpu.memory_space<vmem>>) offsets(%arg12 : memref<128xi32, #tpu.memory_space<vmem>>) semaphore(%arg24 : memref<!tpu.dma_semaphore, #tpu.memory_space<semaphore_mem>>)
      %dma_start3A_125 = arith.constant 0 : i32
      %dma_start3A_126 = arith.constant 0 : i32
      %dma_start3A_127 = tpu.memref_slice %arg3[%dma_start3A_125, %dma_start3A_126] : memref<20000x128xf32, #tpu.memory_space<hbm>> -> memref<20000x128xf32, #tpu.memory_space<hbm>>
      tpu.enqueue_indirect_dma source(%dma_start3A_127 : memref<20000x128xf32, #tpu.memory_space<hbm>>) target(%arg17 : memref<128x128xf32, #tpu.memory_space<vmem>>) offsets(%arg13 : memref<128xi32, #tpu.memory_space<vmem>>) semaphore(%arg25 : memref<!tpu.dma_semaphore, #tpu.memory_space<semaphore_mem>>)
      %dma_wait3A_128 = arith.constant 0 : i32
      %dma_wait3A_129 = arith.constant 0 : i32
      %dma_wait3A_130 = tpu.memref_slice %arg2[%dma_wait3A_128, %dma_wait3A_129] : memref<20000x256xf32, #tpu.memory_space<hbm>> -> memref<20000x256xf32, #tpu.memory_space<hbm>>
      tpu.wait_indirect_dma semaphore(%arg22 : memref<!tpu.dma_semaphore, #tpu.memory_space<semaphore_mem>>) src(%dma_wait3A_130 : memref<20000x256xf32, #tpu.memory_space<hbm>>) dst(%arg14 : memref<128x256xf32, #tpu.memory_space<vmem>>)
      %dma_wait3A_131 = arith.constant 0 : i32
      %dma_wait3A_132 = arith.constant 0 : i32
      %dma_wait3A_133 = tpu.memref_slice %arg3[%dma_wait3A_131, %dma_wait3A_132] : memref<20000x128xf32, #tpu.memory_space<hbm>> -> memref<20000x128xf32, #tpu.memory_space<hbm>>
      tpu.wait_indirect_dma semaphore(%arg23 : memref<!tpu.dma_semaphore, #tpu.memory_space<semaphore_mem>>) src(%dma_wait3A_133 : memref<20000x128xf32, #tpu.memory_space<hbm>>) dst(%arg15 : memref<128x128xf32, #tpu.memory_space<vmem>>)
      %mul3A_134 = arith.constant 128 : i32
      %mul3A_135 = arith.muli %add3A_105, %mul3A_134 : i32
      %add3A_136 = arith.addi %add3A, %mul3A_135 : i32
      %dma_start3A_137 = arith.constant 0 : i32
      %dma_start3A_138 = tpu.memref_slice %arg6[%add3A_136, %dma_start3A_137] : memref<320000x256xf32, #tpu.memory_space<hbm>> -> memref<128x256xf32, #tpu.memory_space<hbm>>
      %dma_start3A_139 = arith.constant 0 : i32
      %dma_start3A_140 = tpu.memref_slice %arg6[%add3A_136, %dma_start3A_139] : memref<320000x256xf32, #tpu.memory_space<hbm>> -> memref<128x256xf32, #tpu.memory_space<hbm>>
      tpu.enqueue_dma source(%arg14 : memref<128x256xf32, #tpu.memory_space<vmem>>) target(%dma_start3A_140 : memref<128x256xf32, #tpu.memory_space<hbm>>) target_semaphore(%arg26 : memref<!tpu.dma_semaphore, #tpu.memory_space<semaphore_mem>>)
      %dma_start3A_141 = arith.constant 0 : i32
      %dma_start3A_142 = tpu.memref_slice %arg7[%add3A_136, %dma_start3A_141] : memref<320000x128xf32, #tpu.memory_space<hbm>> -> memref<128x128xf32, #tpu.memory_space<hbm>>
      %dma_start3A_143 = arith.constant 0 : i32
      %dma_start3A_144 = tpu.memref_slice %arg7[%add3A_136, %dma_start3A_143] : memref<320000x128xf32, #tpu.memory_space<hbm>> -> memref<128x128xf32, #tpu.memory_space<hbm>>
      tpu.enqueue_dma source(%arg15 : memref<128x128xf32, #tpu.memory_space<vmem>>) target(%dma_start3A_144 : memref<128x128xf32, #tpu.memory_space<hbm>>) target_semaphore(%arg27 : memref<!tpu.dma_semaphore, #tpu.memory_space<semaphore_mem>>)
      %dma_wait3A_145 = arith.constant 0 : i32
      %dma_wait3A_146 = arith.constant 0 : i32
      %dma_wait3A_147 = tpu.memref_slice %arg2[%dma_wait3A_145, %dma_wait3A_146] : memref<20000x256xf32, #tpu.memory_space<hbm>> -> memref<20000x256xf32, #tpu.memory_space<hbm>>
      tpu.wait_indirect_dma semaphore(%arg24 : memref<!tpu.dma_semaphore, #tpu.memory_space<semaphore_mem>>) src(%dma_wait3A_147 : memref<20000x256xf32, #tpu.memory_space<hbm>>) dst(%arg16 : memref<128x256xf32, #tpu.memory_space<vmem>>)
      %dma_wait3A_148 = arith.constant 0 : i32
      %dma_wait3A_149 = arith.constant 0 : i32
      %dma_wait3A_150 = tpu.memref_slice %arg3[%dma_wait3A_148, %dma_wait3A_149] : memref<20000x128xf32, #tpu.memory_space<hbm>> -> memref<20000x128xf32, #tpu.memory_space<hbm>>
      tpu.wait_indirect_dma semaphore(%arg25 : memref<!tpu.dma_semaphore, #tpu.memory_space<semaphore_mem>>) src(%dma_wait3A_150 : memref<20000x128xf32, #tpu.memory_space<hbm>>) dst(%arg17 : memref<128x128xf32, #tpu.memory_space<vmem>>)
      %add3A_151 = arith.constant 1 : i32
      %add3A_152 = arith.addi %add3A_105, %add3A_151 : i32
      %mul3A_153 = arith.constant 128 : i32
      %mul3A_154 = arith.muli %add3A_152, %mul3A_153 : i32
      %add3A_155 = arith.addi %add3A, %mul3A_154 : i32
      %dma_start3A_156 = arith.constant 0 : i32
      %dma_start3A_157 = tpu.memref_slice %arg6[%add3A_155, %dma_start3A_156] : memref<320000x256xf32, #tpu.memory_space<hbm>> -> memref<128x256xf32, #tpu.memory_space<hbm>>
      %dma_start3A_158 = arith.constant 0 : i32
      %dma_start3A_159 = tpu.memref_slice %arg6[%add3A_155, %dma_start3A_158] : memref<320000x256xf32, #tpu.memory_space<hbm>> -> memref<128x256xf32, #tpu.memory_space<hbm>>
      tpu.enqueue_dma source(%arg16 : memref<128x256xf32, #tpu.memory_space<vmem>>) target(%dma_start3A_159 : memref<128x256xf32, #tpu.memory_space<hbm>>) target_semaphore(%arg28 : memref<!tpu.dma_semaphore, #tpu.memory_space<semaphore_mem>>)
      %dma_start3A_160 = arith.constant 0 : i32
      %dma_start3A_161 = tpu.memref_slice %arg7[%add3A_155, %dma_start3A_160] : memref<320000x128xf32, #tpu.memory_space<hbm>> -> memref<128x128xf32, #tpu.memory_space<hbm>>
      %dma_start3A_162 = arith.constant 0 : i32
      %dma_start3A_163 = tpu.memref_slice %arg7[%add3A_155, %dma_start3A_162] : memref<320000x128xf32, #tpu.memory_space<hbm>> -> memref<128x128xf32, #tpu.memory_space<hbm>>
      tpu.enqueue_dma source(%arg17 : memref<128x128xf32, #tpu.memory_space<vmem>>) target(%dma_start3A_163 : memref<128x128xf32, #tpu.memory_space<hbm>>) target_semaphore(%arg29 : memref<!tpu.dma_semaphore, #tpu.memory_space<semaphore_mem>>)
      %mul3A_164 = arith.constant 128 : i32
      %mul3A_165 = arith.muli %add3A_105, %mul3A_164 : i32
      %add3A_166 = arith.addi %add3A, %mul3A_165 : i32
      %dma_wait3A_167 = arith.constant 0 : i32
      %dma_wait3A_168 = tpu.memref_slice %arg6[%add3A_166, %dma_wait3A_167] : memref<320000x256xf32, #tpu.memory_space<hbm>> -> memref<128x256xf32, #tpu.memory_space<hbm>>
      %dma_wait3A_169 = arith.constant 0 : i32
      %dma_wait3A_170 = tpu.memref_slice %arg6[%add3A_166, %dma_wait3A_169] : memref<320000x256xf32, #tpu.memory_space<hbm>> -> memref<128x256xf32, #tpu.memory_space<hbm>>
      tpu.wait_dma2 semaphore(%arg26 : memref<!tpu.dma_semaphore, #tpu.memory_space<semaphore_mem>>) src(%arg14 : memref<128x256xf32, #tpu.memory_space<vmem>>) dst(%dma_wait3A_170 : memref<128x256xf32, #tpu.memory_space<hbm>>)
      %dma_wait3A_171 = arith.constant 0 : i32
      %dma_wait3A_172 = tpu.memref_slice %arg7[%add3A_166, %dma_wait3A_171] : memref<320000x128xf32, #tpu.memory_space<hbm>> -> memref<128x128xf32, #tpu.memory_space<hbm>>
      %dma_wait3A_173 = arith.constant 0 : i32
      %dma_wait3A_174 = tpu.memref_slice %arg7[%add3A_166, %dma_wait3A_173] : memref<320000x128xf32, #tpu.memory_space<hbm>> -> memref<128x128xf32, #tpu.memory_space<hbm>>
      tpu.wait_dma2 semaphore(%arg27 : memref<!tpu.dma_semaphore, #tpu.memory_space<semaphore_mem>>) src(%arg15 : memref<128x128xf32, #tpu.memory_space<vmem>>) dst(%dma_wait3A_174 : memref<128x128xf32, #tpu.memory_space<hbm>>)
      %add3A_175 = arith.constant 2 : i32
      %add3A_176 = arith.addi %add3A_105, %add3A_175 : i32
      %lt3A = arith.constant 78 : i32
      %lt3A_177 = arith.cmpi slt, %add3A_176, %lt3A : i32
      %convert_element_type3A = arith.extui %lt3A_177 : i1 to i32
      %cond3A = arith.constant 0 : i32
      %cond3A_178 = arith.cmpi ne, %convert_element_type3A, %cond3A : i32
      scf.if %cond3A_178 {
        %add3A_192 = arith.constant 2 : i32
        %add3A_193 = arith.addi %add3A_105, %add3A_192 : i32
        %mul3A_194 = arith.constant 128 : i32
        %mul3A_195 = arith.muli %add3A_193, %mul3A_194 : i32
        %scan3A_196 = arith.constant 0 : i32
        %scan3A_197 = arith.constant 8 : i32
        %scan3A_198 = arith.addi %scan3A_196, %scan3A_197 : i32
        %scan3A_199 = arith.constant 1 : i32
        scf.for %scan3A_214 = %scan3A_196 to %scan3A_198 step %scan3A_199  : i32 {
          %mul3A_215 = arith.constant 1 : i32
          %mul3A_216 = arith.muli %scan3A_214, %mul3A_215 : i32
          %add3A_217 = arith.constant 0 : i32
          %add3A_218 = arith.addi %add3A_217, %mul3A_216 : i32
          %mul3A_219 = arith.constant 16 : i32
          %mul3A_220 = arith.muli %add3A_218, %mul3A_219 : i32
          %add3A_221 = arith.addi %mul3A_195, %mul3A_220 : i32
          %get3A_222 = arith.index_cast %add3A_221 : i32 to index
          %get3A_223 = tpu.vector_load %arg8[%get3A_222] {strides = array<i32>} : memref<10000xi32, #tpu.memory_space<vmem>>, vector<16xi32>,
          %get3A_224 = vector.shape_cast %get3A_223 : vector<16xi32> to vector<16xi32>
          %add3A_225 = vector.broadcast %mul3A_0 : i32 to vector<16xi32>
          %add3A_226 = arith.addi %get3A_224, %add3A_225 : vector<16xi32>
          %mul3A_227 = arith.constant 16 : i32
          %mul3A_228 = arith.muli %add3A_218, %mul3A_227 : i32
          %swap3A_229 = arith.index_cast %mul3A_228 : i32 to index
          %swap3A_230 = tpu.vector_load %arg10[%swap3A_229] {strides = array<i32>} : memref<128xi32, #tpu.memory_space<vmem>>, vector<16xi32>,
          %swap3A_231 = vector.shape_cast %swap3A_230 : vector<16xi32> to vector<16xi32>
          %swap3A_232 = vector.shape_cast %add3A_226 : vector<16xi32> to vector<16xi32>
          tpu.vector_store %arg10[%swap3A_229], %swap3A_232 {strides = array<i32>} : memref<128xi32, #tpu.memory_space<vmem>>, vector<16xi32>,
        }
        %scan3A_200 = arith.constant 8 : i32
        %mul3A_201 = arith.constant 128 : i32
        %mul3A_202 = arith.muli %add3A_193, %mul3A_201 : i32
        %scan3A_203 = arith.constant 0 : i32
        %scan3A_204 = arith.constant 8 : i32
        %scan3A_205 = arith.addi %scan3A_203, %scan3A_204 : i32
        %scan3A_206 = arith.constant 1 : i32
        scf.for %scan3A_214 = %scan3A_203 to %scan3A_205 step %scan3A_206  : i32 {
          %mul3A_215 = arith.constant 1 : i32
          %mul3A_216 = arith.muli %scan3A_214, %mul3A_215 : i32
          %add3A_217 = arith.constant 0 : i32
          %add3A_218 = arith.addi %add3A_217, %mul3A_216 : i32
          %mul3A_219 = arith.constant 16 : i32
          %mul3A_220 = arith.muli %add3A_218, %mul3A_219 : i32
          %add3A_221 = arith.addi %mul3A_202, %mul3A_220 : i32
          %get3A_222 = arith.index_cast %add3A_221 : i32 to index
          %get3A_223 = tpu.vector_load %arg9[%get3A_222] {strides = array<i32>} : memref<10000xi32, #tpu.memory_space<vmem>>, vector<16xi32>,
          %get3A_224 = vector.shape_cast %get3A_223 : vector<16xi32> to vector<16xi32>
          %add3A_225 = vector.broadcast %mul3A_0 : i32 to vector<16xi32>
          %add3A_226 = arith.addi %get3A_224, %add3A_225 : vector<16xi32>
          %mul3A_227 = arith.constant 16 : i32
          %mul3A_228 = arith.muli %add3A_218, %mul3A_227 : i32
          %swap3A_229 = arith.index_cast %mul3A_228 : i32 to index
          %swap3A_230 = tpu.vector_load %arg11[%swap3A_229] {strides = array<i32>} : memref<128xi32, #tpu.memory_space<vmem>>, vector<16xi32>,
          %swap3A_231 = vector.shape_cast %swap3A_230 : vector<16xi32> to vector<16xi32>
          %swap3A_232 = vector.shape_cast %add3A_226 : vector<16xi32> to vector<16xi32>
          tpu.vector_store %arg11[%swap3A_229], %swap3A_232 {strides = array<i32>} : memref<128xi32, #tpu.memory_space<vmem>>, vector<16xi32>,
        }
        %scan3A_207 = arith.constant 8 : i32
        %dma_start3A_208 = arith.constant 0 : i32
        %dma_start3A_209 = arith.constant 0 : i32
        %dma_start3A_210 = tpu.memref_slice %arg2[%dma_start3A_208, %dma_start3A_209] : memref<20000x256xf32, #tpu.memory_space<hbm>> -> memref<20000x256xf32, #tpu.memory_space<hbm>>
        tpu.enqueue_indirect_dma source(%dma_start3A_210 : memref<20000x256xf32, #tpu.memory_space<hbm>>) target(%arg14 : memref<128x256xf32, #tpu.memory_space<vmem>>) offsets(%arg10 : memref<128xi32, #tpu.memory_space<vmem>>) semaphore(%arg22 : memref<!tpu.dma_semaphore, #tpu.memory_space<semaphore_mem>>)
        %dma_start3A_211 = arith.constant 0 : i32
        %dma_start3A_212 = arith.constant 0 : i32
        %dma_start3A_213 = tpu.memref_slice %arg3[%dma_start3A_211, %dma_start3A_212] : memref<20000x128xf32, #tpu.memory_space<hbm>> -> memref<20000x128xf32, #tpu.memory_space<hbm>>
        tpu.enqueue_indirect_dma source(%dma_start3A_213 : memref<20000x128xf32, #tpu.memory_space<hbm>>) target(%arg15 : memref<128x128xf32, #tpu.memory_space<vmem>>) offsets(%arg11 : memref<128xi32, #tpu.memory_space<vmem>>) semaphore(%arg23 : memref<!tpu.dma_semaphore, #tpu.memory_space<semaphore_mem>>)
      } else {
      }
      %add3A_179 = arith.constant 1 : i32
      %add3A_180 = arith.addi %add3A_105, %add3A_179 : i32
      %mul3A_181 = arith.constant 128 : i32
      %mul3A_182 = arith.muli %add3A_180, %mul3A_181 : i32
      %add3A_183 = arith.addi %add3A, %mul3A_182 : i32
      %dma_wait3A_184 = arith.constant 0 : i32
      %dma_wait3A_185 = tpu.memref_slice %arg6[%add3A_183, %dma_wait3A_184] : memref<320000x256xf32, #tpu.memory_space<hbm>> -> memref<128x256xf32, #tpu.memory_space<hbm>>
      %dma_wait3A_186 = arith.constant 0 : i32
      %dma_wait3A_187 = tpu.memref_slice %arg6[%add3A_183, %dma_wait3A_186] : memref<320000x256xf32, #tpu.memory_space<hbm>> -> memref<128x256xf32, #tpu.memory_space<hbm>>
      tpu.wait_dma2 semaphore(%arg28 : memref<!tpu.dma_semaphore, #tpu.memory_space<semaphore_mem>>) src(%arg16 : memref<128x256xf32, #tpu.memory_space<vmem>>) dst(%dma_wait3A_187 : memref<128x256xf32, #tpu.memory_space<hbm>>)
      %dma_wait3A_188 = arith.constant 0 : i32
      %dma_wait3A_189 = tpu.memref_slice %arg7[%add3A_183, %dma_wait3A_188] : memref<320000x128xf32, #tpu.memory_space<hbm>> -> memref<128x128xf32, #tpu.memory_space<hbm>>
      %dma_wait3A_190 = arith.constant 0 : i32
      %dma_wait3A_191 = tpu.memref_slice %arg7[%add3A_183, %dma_wait3A_190] : memref<320000x128xf32, #tpu.memory_space<hbm>> -> memref<128x128xf32, #tpu.memory_space<hbm>>
      tpu.wait_dma2 semaphore(%arg29 : memref<!tpu.dma_semaphore, #tpu.memory_space<semaphore_mem>>) src(%arg17 : memref<128x128xf32, #tpu.memory_space<vmem>>) dst(%dma_wait3A_191 : memref<128x128xf32, #tpu.memory_space<hbm>>)
    }
    %scan3A_30 = arith.constant 39 : i32
    %scan3A_31 = arith.constant 0 : i32
    %mul3A_32 = arith.constant 1 : i32
    %mul3A_33 = arith.muli %scan3A_31, %mul3A_32 : i32
    %add3A_34 = arith.constant 0 : i32
    %add3A_35 = arith.addi %add3A_34, %mul3A_33 : i32
    %mul3A_36 = arith.constant 16 : i32
    %mul3A_37 = arith.muli %add3A_35, %mul3A_36 : i32
    %add3A_38 = arith.constant 9984 : i32
    %add3A_39 = arith.addi %add3A_38, %mul3A_37 : i32
    %get3A = arith.index_cast %add3A_39 : i32 to index
    %get3A_40 = tpu.vector_load %arg8[%get3A] {strides = array<i32>} : memref<10000xi32, #tpu.memory_space<vmem>>, vector<16xi32>,
    %get3A_41 = vector.shape_cast %get3A_40 : vector<16xi32> to vector<16xi32>
    %add3A_42 = vector.broadcast %mul3A_0 : i32 to vector<16xi32>
    %add3A_43 = arith.addi %get3A_41, %add3A_42 : vector<16xi32>
    %mul3A_44 = arith.constant 16 : i32
    %mul3A_45 = arith.muli %add3A_35, %mul3A_44 : i32
    %swap3A = arith.index_cast %mul3A_45 : i32 to index
    %swap3A_46 = tpu.vector_load %arg18[%swap3A] {strides = array<i32>} : memref<16xi32, #tpu.memory_space<vmem>>, vector<16xi32>,
    %swap3A_47 = vector.shape_cast %swap3A_46 : vector<16xi32> to vector<16xi32>
    %swap3A_48 = vector.shape_cast %add3A_43 : vector<16xi32> to vector<16xi32>
    tpu.vector_store %arg18[%swap3A], %swap3A_48 {strides = array<i32>} : memref<16xi32, #tpu.memory_space<vmem>>, vector<16xi32>,
    %scan3A_49 = arith.constant 1 : i32
    %scan3A_50 = arith.constant 0 : i32
    %mul3A_51 = arith.constant 1 : i32
    %mul3A_52 = arith.muli %scan3A_50, %mul3A_51 : i32
    %add3A_53 = arith.constant 0 : i32
    %add3A_54 = arith.addi %add3A_53, %mul3A_52 : i32
    %mul3A_55 = arith.constant 16 : i32
    %mul3A_56 = arith.muli %add3A_54, %mul3A_55 : i32
    %add3A_57 = arith.constant 9984 : i32
    %add3A_58 = arith.addi %add3A_57, %mul3A_56 : i32
    %get3A_59 = arith.index_cast %add3A_58 : i32 to index
    %get3A_60 = tpu.vector_load %arg9[%get3A_59] {strides = array<i32>} : memref<10000xi32, #tpu.memory_space<vmem>>, vector<16xi32>,
    %get3A_61 = vector.shape_cast %get3A_60 : vector<16xi32> to vector<16xi32>
    %add3A_62 = vector.broadcast %mul3A_0 : i32 to vector<16xi32>
    %add3A_63 = arith.addi %get3A_61, %add3A_62 : vector<16xi32>
    %mul3A_64 = arith.constant 16 : i32
    %mul3A_65 = arith.muli %add3A_54, %mul3A_64 : i32
    %swap3A_66 = arith.index_cast %mul3A_65 : i32 to index
    %swap3A_67 = tpu.vector_load %arg19[%swap3A_66] {strides = array<i32>} : memref<16xi32, #tpu.memory_space<vmem>>, vector<16xi32>,
    %swap3A_68 = vector.shape_cast %swap3A_67 : vector<16xi32> to vector<16xi32>
    %swap3A_69 = vector.shape_cast %add3A_63 : vector<16xi32> to vector<16xi32>
    tpu.vector_store %arg19[%swap3A_66], %swap3A_69 {strides = array<i32>} : memref<16xi32, #tpu.memory_space<vmem>>, vector<16xi32>,
    %scan3A_70 = arith.constant 1 : i32
    %dma_start3A_71 = arith.constant 0 : i32
    %dma_start3A_72 = arith.constant 0 : i32
    %dma_start3A_73 = tpu.memref_slice %arg2[%dma_start3A_71, %dma_start3A_72] : memref<20000x256xf32, #tpu.memory_space<hbm>> -> memref<20000x256xf32, #tpu.memory_space<hbm>>
    tpu.enqueue_indirect_dma source(%dma_start3A_73 : memref<20000x256xf32, #tpu.memory_space<hbm>>) target(%arg20 : memref<16x256xf32, #tpu.memory_space<vmem>>) offsets(%arg18 : memref<16xi32, #tpu.memory_space<vmem>>) semaphore(%arg22 : memref<!tpu.dma_semaphore, #tpu.memory_space<semaphore_mem>>)
    %dma_start3A_74 = arith.constant 0 : i32
    %dma_start3A_75 = arith.constant 0 : i32
    %dma_start3A_76 = tpu.memref_slice %arg3[%dma_start3A_74, %dma_start3A_75] : memref<20000x128xf32, #tpu.memory_space<hbm>> -> memref<20000x128xf32, #tpu.memory_space<hbm>>
    tpu.enqueue_indirect_dma source(%dma_start3A_76 : memref<20000x128xf32, #tpu.memory_space<hbm>>) target(%arg21 : memref<16x128xf32, #tpu.memory_space<vmem>>) offsets(%arg19 : memref<16xi32, #tpu.memory_space<vmem>>) semaphore(%arg23 : memref<!tpu.dma_semaphore, #tpu.memory_space<semaphore_mem>>)
    %dma_wait3A_77 = arith.constant 0 : i32
    %dma_wait3A_78 = arith.constant 0 : i32
    %dma_wait3A_79 = tpu.memref_slice %arg2[%dma_wait3A_77, %dma_wait3A_78] : memref<20000x256xf32, #tpu.memory_space<hbm>> -> memref<20000x256xf32, #tpu.memory_space<hbm>>
    tpu.wait_indirect_dma semaphore(%arg22 : memref<!tpu.dma_semaphore, #tpu.memory_space<semaphore_mem>>) src(%dma_wait3A_79 : memref<20000x256xf32, #tpu.memory_space<hbm>>) dst(%arg20 : memref<16x256xf32, #tpu.memory_space<vmem>>)
    %dma_wait3A_80 = arith.constant 0 : i32
    %dma_wait3A_81 = arith.constant 0 : i32
    %dma_wait3A_82 = tpu.memref_slice %arg3[%dma_wait3A_80, %dma_wait3A_81] : memref<20000x128xf32, #tpu.memory_space<hbm>> -> memref<20000x128xf32, #tpu.memory_space<hbm>>
    tpu.wait_indirect_dma semaphore(%arg23 : memref<!tpu.dma_semaphore, #tpu.memory_space<semaphore_mem>>) src(%dma_wait3A_82 : memref<20000x128xf32, #tpu.memory_space<hbm>>) dst(%arg21 : memref<16x128xf32, #tpu.memory_space<vmem>>)
    %add3A_83 = arith.constant 9984 : i32
    %add3A_84 = arith.addi %add3A, %add3A_83 : i32
    %dma_start3A_85 = arith.constant 0 : i32
    %dma_start3A_86 = tpu.memref_slice %arg6[%add3A_84, %dma_start3A_85] : memref<320000x256xf32, #tpu.memory_space<hbm>> -> memref<16x256xf32, #tpu.memory_space<hbm>>
    %dma_start3A_87 = arith.constant 0 : i32
    %dma_start3A_88 = tpu.memref_slice %arg6[%add3A_84, %dma_start3A_87] : memref<320000x256xf32, #tpu.memory_space<hbm>> -> memref<16x256xf32, #tpu.memory_space<hbm>>
    tpu.enqueue_dma source(%arg20 : memref<16x256xf32, #tpu.memory_space<vmem>>) target(%dma_start3A_88 : memref<16x256xf32, #tpu.memory_space<hbm>>) target_semaphore(%arg26 : memref<!tpu.dma_semaphore, #tpu.memory_space<semaphore_mem>>)
    %dma_start3A_89 = arith.constant 0 : i32
    %dma_start3A_90 = tpu.memref_slice %arg7[%add3A_84, %dma_start3A_89] : memref<320000x128xf32, #tpu.memory_space<hbm>> -> memref<16x128xf32, #tpu.memory_space<hbm>>
    %dma_start3A_91 = arith.constant 0 : i32
    %dma_start3A_92 = tpu.memref_slice %arg7[%add3A_84, %dma_start3A_91] : memref<320000x128xf32, #tpu.memory_space<hbm>> -> memref<16x128xf32, #tpu.memory_space<hbm>>
    tpu.enqueue_dma source(%arg21 : memref<16x128xf32, #tpu.memory_space<vmem>>) target(%dma_start3A_92 : memref<16x128xf32, #tpu.memory_space<hbm>>) target_semaphore(%arg27 : memref<!tpu.dma_semaphore, #tpu.memory_space<semaphore_mem>>)
    %dma_wait3A_93 = arith.constant 0 : i32
    %dma_wait3A_94 = tpu.memref_slice %arg6[%add3A_84, %dma_wait3A_93] : memref<320000x256xf32, #tpu.memory_space<hbm>> -> memref<16x256xf32, #tpu.memory_space<hbm>>
    %dma_wait3A_95 = arith.constant 0 : i32
    %dma_wait3A_96 = tpu.memref_slice %arg6[%add3A_84, %dma_wait3A_95] : memref<320000x256xf32, #tpu.memory_space<hbm>> -> memref<16x256xf32, #tpu.memory_space<hbm>>
    tpu.wait_dma2 semaphore(%arg26 : memref<!tpu.dma_semaphore, #tpu.memory_space<semaphore_mem>>) src(%arg20 : memref<16x256xf32, #tpu.memory_space<vmem>>) dst(%dma_wait3A_96 : memref<16x256xf32, #tpu.memory_space<hbm>>)
    %dma_wait3A_97 = arith.constant 0 : i32
    %dma_wait3A_98 = tpu.memref_slice %arg7[%add3A_84, %dma_wait3A_97] : memref<320000x128xf32, #tpu.memory_space<hbm>> -> memref<16x128xf32, #tpu.memory_space<hbm>>
    %dma_wait3A_99 = arith.constant 0 : i32
    %dma_wait3A_100 = tpu.memref_slice %arg7[%add3A_84, %dma_wait3A_99] : memref<320000x128xf32, #tpu.memory_space<hbm>> -> memref<16x128xf32, #tpu.memory_space<hbm>>
    tpu.wait_dma2 semaphore(%arg27 : memref<!tpu.dma_semaphore, #tpu.memory_space<semaphore_mem>>) src(%arg21 : memref<16x128xf32, #tpu.memory_space<vmem>>) dst(%dma_wait3A_100 : memref<16x128xf32, #tpu.memory_space<hbm>>)
    return
  }
}

#map = affine_map<(d0, d1) -> (0, 0)>
#map1 = affine_map<(d0, d1) -> (0)>
module attributes {stable_mosaic.version = 14 : i64} {
  func.func @_scatter_kernel(%arg0: i32, %arg1: i32, %arg2: memref<320000x144xf32, #tpu.memory_space<hbm>>, %arg3: memref<160000xi32, #tpu.memory_space<hbm>>, %arg4: memref<10240x144xf32, #tpu.memory_space<hbm>>, %arg5: memref<10240x144xf32, #tpu.memory_space<hbm>>, %arg6: memref<10240x144xf32, #tpu.memory_space<vmem_shared>>, %arg7: memref<128xi32, #tpu.memory_space<vmem>>, %arg8: memref<128x144xf32, #tpu.memory_space<vmem>>, %arg9: memref<128xi32, #tpu.memory_space<vmem>>, %arg10: memref<128x144xf32, #tpu.memory_space<vmem>>, %arg11: memref<16xi32, #tpu.memory_space<vmem>>, %arg12: memref<!tpu.dma_semaphore, #tpu.memory_space<semaphore_mem>>, %arg13: memref<!tpu.dma_semaphore, #tpu.memory_space<semaphore_mem>>, %arg14: memref<!tpu.dma_semaphore, #tpu.memory_space<semaphore_mem>>, %arg15: memref<!tpu.dma_semaphore, #tpu.memory_space<semaphore_mem>>) attributes {dimension_semantics = [#tpu.dimension_semantics<core_parallel>, #tpu.dimension_semantics<subcore_parallel>], iteration_bounds = array<i64: 2, 16>, scalar_prefetch = 0 : i64, scratch_operands = 10 : i64, tpu.core_type = #tpu.core_type<sc_vector_subcore>, window_params = [{transform_indices = #map}, {transform_indices = #map1}, {transform_indices = #map}, {transform_indices = #map}]} {
    %mul3A = arith.constant 10000 : i32
    %mul3A_0 = arith.muli %arg1, %mul3A : i32
    %mul3A_1 = arith.constant 160000 : i32
    %mul3A_2 = arith.muli %arg0, %mul3A_1 : i32
    %add3A = arith.addi %mul3A_2, %mul3A_0 : i32
    %mul3A_3 = arith.constant 640 : i32
    %mul3A_4 = arith.muli %arg1, %mul3A_3 : i32
    %scan3A = arith.constant 0 : i32
    %scan3A_5 = arith.constant 128 : i32
    %scan3A_6 = arith.addi %scan3A, %scan3A_5 : i32
    %scan3A_7 = arith.constant 1 : i32
    scf.for %scan3A_38 = %scan3A to %scan3A_6 step %scan3A_7  : i32 {
      %mul3A_39 = arith.constant 1 : i32
      %mul3A_40 = arith.muli %scan3A_38, %mul3A_39 : i32
      %add3A_41 = arith.constant 0 : i32
      %add3A_42 = arith.addi %add3A_41, %mul3A_40 : i32
      %scan3A_43 = arith.constant 0 : i32
      %scan3A_44 = arith.constant 9 : i32
      %scan3A_45 = arith.addi %scan3A_43, %scan3A_44 : i32
      %scan3A_46 = arith.constant 1 : i32
      scf.for %scan3A_48 = %scan3A_43 to %scan3A_45 step %scan3A_46  : i32 {
        %mul3A_49 = arith.constant 1 : i32
        %mul3A_50 = arith.muli %scan3A_48, %mul3A_49 : i32
        %add3A_51 = arith.constant 0 : i32
        %add3A_52 = arith.addi %add3A_51, %mul3A_50 : i32
        %broadcast_in_dim3A = arith.constant 0.000000e+00 : f32
        %broadcast_in_dim3A_53 = vector.broadcast %broadcast_in_dim3A : f32 to vector<16xf32>
        %mul3A_54 = arith.constant 16 : i32
        %mul3A_55 = arith.muli %add3A_52, %mul3A_54 : i32
        %swap3A = arith.index_cast %add3A_42 : i32 to index
        %swap3A_56 = arith.index_cast %mul3A_55 : i32 to index
        %swap3A_57 = tpu.vector_load %arg8[%swap3A, %swap3A_56] {strides = array<i32>} : memref<128x144xf32, #tpu.memory_space<vmem>>, vector<1x16xf32>,
        %swap3A_58 = vector.shape_cast %swap3A_57 : vector<1x16xf32> to vector<16xf32>
        %swap3A_59 = vector.shape_cast %broadcast_in_dim3A_53 : vector<16xf32> to vector<1x16xf32>
        tpu.vector_store %arg8[%swap3A, %swap3A_56], %swap3A_59 {strides = array<i32>} : memref<128x144xf32, #tpu.memory_space<vmem>>, vector<1x16xf32>,
      }
      %scan3A_47 = arith.constant 9 : i32
    }
    %scan3A_8 = arith.constant 128 : i32
    %scan3A_9 = arith.constant 0 : i32
    %scan3A_10 = arith.constant 5 : i32
    %scan3A_11 = arith.addi %scan3A_9, %scan3A_10 : i32
    %scan3A_12 = arith.constant 1 : i32
    scf.for %scan3A_38 = %scan3A_9 to %scan3A_11 step %scan3A_12  : i32 {
      %mul3A_39 = arith.constant 1 : i32
      %mul3A_40 = arith.muli %scan3A_38, %mul3A_39 : i32
      %add3A_41 = arith.constant 0 : i32
      %add3A_42 = arith.addi %add3A_41, %mul3A_40 : i32
      %mul3A_43 = arith.constant 128 : i32
      %mul3A_44 = arith.muli %add3A_42, %mul3A_43 : i32
      %add3A_45 = arith.addi %mul3A_4, %mul3A_44 : i32
      "tpu.region"() ({
        %run_scoped3A = tpu.sem_alloc : memref<!tpu.dma_semaphore, #tpu.memory_space<semaphore_mem>>
        %dma_start3A_46 = arith.constant 0 : i32
        %dma_start3A_47 = tpu.memref_slice %arg6[%add3A_45, %dma_start3A_46] : memref<10240x144xf32, #tpu.memory_space<vmem_shared>> -> memref<128x144xf32, #tpu.memory_space<vmem_shared>>
        %dma_start3A_48 = arith.constant 0 : i32
        %dma_start3A_49 = tpu.memref_slice %arg6[%add3A_45, %dma_start3A_48] : memref<10240x144xf32, #tpu.memory_space<vmem_shared>> -> memref<128x144xf32, #tpu.memory_space<vmem_shared>>
        tpu.enqueue_dma source(%arg8 : memref<128x144xf32, #tpu.memory_space<vmem>>) target(%dma_start3A_49 : memref<128x144xf32, #tpu.memory_space<vmem_shared>>) target_semaphore(%run_scoped3A : memref<!tpu.dma_semaphore, #tpu.memory_space<semaphore_mem>>)
        %dma_wait3A = arith.constant 0 : i32
        %dma_wait3A_50 = tpu.memref_slice %arg6[%add3A_45, %dma_wait3A] : memref<10240x144xf32, #tpu.memory_space<vmem_shared>> -> memref<128x144xf32, #tpu.memory_space<vmem_shared>>
        %dma_wait3A_51 = arith.constant 0 : i32
        %dma_wait3A_52 = tpu.memref_slice %arg6[%add3A_45, %dma_wait3A_51] : memref<10240x144xf32, #tpu.memory_space<vmem_shared>> -> memref<128x144xf32, #tpu.memory_space<vmem_shared>>
        tpu.wait_dma2 semaphore(%run_scoped3A : memref<!tpu.dma_semaphore, #tpu.memory_space<semaphore_mem>>) src(%arg8 : memref<128x144xf32, #tpu.memory_space<vmem>>) dst(%dma_wait3A_52 : memref<128x144xf32, #tpu.memory_space<vmem_shared>>)
        tpu.yield
      }) : () -> ()
    }
    %scan3A_13 = arith.constant 5 : i32
    %barrier3A = arith.constant 0 : index
    tpu.barrier barrier_id(%barrier3A)
    %add3A_14 = arith.constant 0 : i32
    %add3A_15 = arith.addi %mul3A_0, %add3A_14 : i32
    %dma_start3A = tpu.memref_slice %arg3[%add3A_15] : memref<160000xi32, #tpu.memory_space<hbm>> -> memref<128xi32, #tpu.memory_space<hbm>>
    %dma_start3A_16 = tpu.memref_slice %arg3[%add3A_15] : memref<160000xi32, #tpu.memory_space<hbm>> -> memref<128xi32, #tpu.memory_space<hbm>>
    tpu.enqueue_dma source(%dma_start3A_16 : memref<128xi32, #tpu.memory_space<hbm>>) target(%arg7 : memref<128xi32, #tpu.memory_space<vmem>>) target_semaphore(%arg12 : memref<!tpu.dma_semaphore, #tpu.memory_space<semaphore_mem>>)
    %add3A_17 = arith.constant 0 : i32
    %add3A_18 = arith.addi %add3A, %add3A_17 : i32
    %dma_start3A_19 = arith.constant 0 : i32
    %dma_start3A_20 = tpu.memref_slice %arg2[%add3A_18, %dma_start3A_19] : memref<320000x144xf32, #tpu.memory_space<hbm>> -> memref<128x144xf32, #tpu.memory_space<hbm>>
    %dma_start3A_21 = arith.constant 0 : i32
    %dma_start3A_22 = tpu.memref_slice %arg2[%add3A_18, %dma_start3A_21] : memref<320000x144xf32, #tpu.memory_space<hbm>> -> memref<128x144xf32, #tpu.memory_space<hbm>>
    tpu.enqueue_dma source(%dma_start3A_22 : memref<128x144xf32, #tpu.memory_space<hbm>>) target(%arg8 : memref<128x144xf32, #tpu.memory_space<vmem>>) target_semaphore(%arg13 : memref<!tpu.dma_semaphore, #tpu.memory_space<semaphore_mem>>)
    %scan3A_23 = arith.constant 0 : i32
    %scan3A_24 = arith.constant 39 : i32
    %scan3A_25 = arith.addi %scan3A_23, %scan3A_24 : i32
    %scan3A_26 = arith.constant 1 : i32
    scf.for %scan3A_38 = %scan3A_23 to %scan3A_25 step %scan3A_26  : i32 {
      %mul3A_39 = arith.constant 2 : i32
      %mul3A_40 = arith.muli %scan3A_38, %mul3A_39 : i32
      %add3A_41 = arith.constant 0 : i32
      %add3A_42 = arith.addi %add3A_41, %mul3A_40 : i32
      %add3A_43 = arith.constant 1 : i32
      %add3A_44 = arith.addi %add3A_42, %add3A_43 : i32
      %mul3A_45 = arith.constant 128 : i32
      %mul3A_46 = arith.muli %add3A_44, %mul3A_45 : i32
      %add3A_47 = arith.addi %mul3A_0, %mul3A_46 : i32
      %dma_start3A_48 = tpu.memref_slice %arg3[%add3A_47] : memref<160000xi32, #tpu.memory_space<hbm>> -> memref<128xi32, #tpu.memory_space<hbm>>
      %dma_start3A_49 = tpu.memref_slice %arg3[%add3A_47] : memref<160000xi32, #tpu.memory_space<hbm>> -> memref<128xi32, #tpu.memory_space<hbm>>
      tpu.enqueue_dma source(%dma_start3A_49 : memref<128xi32, #tpu.memory_space<hbm>>) target(%arg9 : memref<128xi32, #tpu.memory_space<vmem>>) target_semaphore(%arg14 : memref<!tpu.dma_semaphore, #tpu.memory_space<semaphore_mem>>)
      %mul3A_50 = arith.constant 128 : i32
      %mul3A_51 = arith.muli %add3A_44, %mul3A_50 : i32
      %add3A_52 = arith.addi %add3A, %mul3A_51 : i32
      %dma_start3A_53 = arith.constant 0 : i32
      %dma_start3A_54 = tpu.memref_slice %arg2[%add3A_52, %dma_start3A_53] : memref<320000x144xf32, #tpu.memory_space<hbm>> -> memref<128x144xf32, #tpu.memory_space<hbm>>
      %dma_start3A_55 = arith.constant 0 : i32
      %dma_start3A_56 = tpu.memref_slice %arg2[%add3A_52, %dma_start3A_55] : memref<320000x144xf32, #tpu.memory_space<hbm>> -> memref<128x144xf32, #tpu.memory_space<hbm>>
      tpu.enqueue_dma source(%dma_start3A_56 : memref<128x144xf32, #tpu.memory_space<hbm>>) target(%arg10 : memref<128x144xf32, #tpu.memory_space<vmem>>) target_semaphore(%arg15 : memref<!tpu.dma_semaphore, #tpu.memory_space<semaphore_mem>>)
      %mul3A_57 = arith.constant 128 : i32
      %mul3A_58 = arith.muli %add3A_42, %mul3A_57 : i32
      %add3A_59 = arith.addi %mul3A_0, %mul3A_58 : i32
      %dma_wait3A = tpu.memref_slice %arg3[%add3A_59] : memref<160000xi32, #tpu.memory_space<hbm>> -> memref<128xi32, #tpu.memory_space<hbm>>
      %dma_wait3A_60 = tpu.memref_slice %arg3[%add3A_59] : memref<160000xi32, #tpu.memory_space<hbm>> -> memref<128xi32, #tpu.memory_space<hbm>>
      tpu.wait_dma2 semaphore(%arg12 : memref<!tpu.dma_semaphore, #tpu.memory_space<semaphore_mem>>) src(%dma_wait3A_60 : memref<128xi32, #tpu.memory_space<hbm>>) dst(%arg7 : memref<128xi32, #tpu.memory_space<vmem>>)
      %mul3A_61 = arith.constant 128 : i32
      %mul3A_62 = arith.muli %add3A_42, %mul3A_61 : i32
      %add3A_63 = arith.addi %add3A, %mul3A_62 : i32
      %dma_wait3A_64 = arith.constant 0 : i32
      %dma_wait3A_65 = tpu.memref_slice %arg2[%add3A_63, %dma_wait3A_64] : memref<320000x144xf32, #tpu.memory_space<hbm>> -> memref<128x144xf32, #tpu.memory_space<hbm>>
      %dma_wait3A_66 = arith.constant 0 : i32
      %dma_wait3A_67 = tpu.memref_slice %arg2[%add3A_63, %dma_wait3A_66] : memref<320000x144xf32, #tpu.memory_space<hbm>> -> memref<128x144xf32, #tpu.memory_space<hbm>>
      tpu.wait_dma2 semaphore(%arg13 : memref<!tpu.dma_semaphore, #tpu.memory_space<semaphore_mem>>) src(%dma_wait3A_67 : memref<128x144xf32, #tpu.memory_space<hbm>>) dst(%arg8 : memref<128x144xf32, #tpu.memory_space<vmem>>)
      "tpu.region"() ({
        %run_scoped3A = tpu.sem_alloc : memref<!tpu.dma_semaphore, #tpu.memory_space<semaphore_mem>>
        %dma_start3A_86 = arith.constant 0 : i32
        %dma_start3A_87 = arith.constant 0 : i32
        %dma_start3A_88 = tpu.memref_slice %arg6[%dma_start3A_86, %dma_start3A_87] : memref<10240x144xf32, #tpu.memory_space<vmem_shared>> -> memref<10240x144xf32, #tpu.memory_space<vmem_shared>>
        tpu.enqueue_indirect_dma source(%arg8 : memref<128x144xf32, #tpu.memory_space<vmem>>) target(%dma_start3A_88 : memref<10240x144xf32, #tpu.memory_space<vmem_shared>>) offsets(%arg7 : memref<128xi32, #tpu.memory_space<vmem>>) semaphore(%run_scoped3A : memref<!tpu.dma_semaphore, #tpu.memory_space<semaphore_mem>>) {add = true}
        %dma_wait3A_89 = arith.constant 0 : i32
        %dma_wait3A_90 = arith.constant 0 : i32
        %dma_wait3A_91 = tpu.memref_slice %arg6[%dma_wait3A_89, %dma_wait3A_90] : memref<10240x144xf32, #tpu.memory_space<vmem_shared>> -> memref<10240x144xf32, #tpu.memory_space<vmem_shared>>
        tpu.wait_indirect_dma semaphore(%run_scoped3A : memref<!tpu.dma_semaphore, #tpu.memory_space<semaphore_mem>>) src(%arg8 : memref<128x144xf32, #tpu.memory_space<vmem>>) dst(%dma_wait3A_91 : memref<10240x144xf32, #tpu.memory_space<vmem_shared>>)
        tpu.yield
      }) : () -> ()
      %add3A_68 = arith.constant 1 : i32
      %add3A_69 = arith.addi %add3A_42, %add3A_68 : i32
      %mul3A_70 = arith.constant 128 : i32
      %mul3A_71 = arith.muli %add3A_69, %mul3A_70 : i32
      %add3A_72 = arith.addi %mul3A_0, %mul3A_71 : i32
      %dma_wait3A_73 = tpu.memref_slice %arg3[%add3A_72] : memref<160000xi32, #tpu.memory_space<hbm>> -> memref<128xi32, #tpu.memory_space<hbm>>
      %dma_wait3A_74 = tpu.memref_slice %arg3[%add3A_72] : memref<160000xi32, #tpu.memory_space<hbm>> -> memref<128xi32, #tpu.memory_space<hbm>>
      tpu.wait_dma2 semaphore(%arg14 : memref<!tpu.dma_semaphore, #tpu.memory_space<semaphore_mem>>) src(%dma_wait3A_74 : memref<128xi32, #tpu.memory_space<hbm>>) dst(%arg9 : memref<128xi32, #tpu.memory_space<vmem>>)
      %mul3A_75 = arith.constant 128 : i32
      %mul3A_76 = arith.muli %add3A_69, %mul3A_75 : i32
      %add3A_77 = arith.addi %add3A, %mul3A_76 : i32
      %dma_wait3A_78 = arith.constant 0 : i32
      %dma_wait3A_79 = tpu.memref_slice %arg2[%add3A_77, %dma_wait3A_78] : memref<320000x144xf32, #tpu.memory_space<hbm>> -> memref<128x144xf32, #tpu.memory_space<hbm>>
      %dma_wait3A_80 = arith.constant 0 : i32
      %dma_wait3A_81 = tpu.memref_slice %arg2[%add3A_77, %dma_wait3A_80] : memref<320000x144xf32, #tpu.memory_space<hbm>> -> memref<128x144xf32, #tpu.memory_space<hbm>>
      tpu.wait_dma2 semaphore(%arg15 : memref<!tpu.dma_semaphore, #tpu.memory_space<semaphore_mem>>) src(%dma_wait3A_81 : memref<128x144xf32, #tpu.memory_space<hbm>>) dst(%arg10 : memref<128x144xf32, #tpu.memory_space<vmem>>)
      %add3A_82 = arith.constant 2 : i32
      %add3A_83 = arith.addi %add3A_42, %add3A_82 : i32
      %lt3A = arith.constant 78 : i32
      %lt3A_84 = arith.cmpi slt, %add3A_83, %lt3A : i32
      %convert_element_type3A = arith.extui %lt3A_84 : i1 to i32
      %cond3A = arith.constant 0 : i32
      %cond3A_85 = arith.cmpi ne, %convert_element_type3A, %cond3A : i32
      scf.if %cond3A_85 {
        %add3A_86 = arith.constant 2 : i32
        %add3A_87 = arith.addi %add3A_42, %add3A_86 : i32
        %mul3A_88 = arith.constant 128 : i32
        %mul3A_89 = arith.muli %add3A_87, %mul3A_88 : i32
        %add3A_90 = arith.addi %mul3A_0, %mul3A_89 : i32
        %dma_start3A_91 = tpu.memref_slice %arg3[%add3A_90] : memref<160000xi32, #tpu.memory_space<hbm>> -> memref<128xi32, #tpu.memory_space<hbm>>
        %dma_start3A_92 = tpu.memref_slice %arg3[%add3A_90] : memref<160000xi32, #tpu.memory_space<hbm>> -> memref<128xi32, #tpu.memory_space<hbm>>
        tpu.enqueue_dma source(%dma_start3A_92 : memref<128xi32, #tpu.memory_space<hbm>>) target(%arg7 : memref<128xi32, #tpu.memory_space<vmem>>) target_semaphore(%arg12 : memref<!tpu.dma_semaphore, #tpu.memory_space<semaphore_mem>>)
        %mul3A_93 = arith.constant 128 : i32
        %mul3A_94 = arith.muli %add3A_87, %mul3A_93 : i32
        %add3A_95 = arith.addi %add3A, %mul3A_94 : i32
        %dma_start3A_96 = arith.constant 0 : i32
        %dma_start3A_97 = tpu.memref_slice %arg2[%add3A_95, %dma_start3A_96] : memref<320000x144xf32, #tpu.memory_space<hbm>> -> memref<128x144xf32, #tpu.memory_space<hbm>>
        %dma_start3A_98 = arith.constant 0 : i32
        %dma_start3A_99 = tpu.memref_slice %arg2[%add3A_95, %dma_start3A_98] : memref<320000x144xf32, #tpu.memory_space<hbm>> -> memref<128x144xf32, #tpu.memory_space<hbm>>
        tpu.enqueue_dma source(%dma_start3A_99 : memref<128x144xf32, #tpu.memory_space<hbm>>) target(%arg8 : memref<128x144xf32, #tpu.memory_space<vmem>>) target_semaphore(%arg13 : memref<!tpu.dma_semaphore, #tpu.memory_space<semaphore_mem>>)
      } else {
      }
      "tpu.region"() ({
        %run_scoped3A = tpu.sem_alloc : memref<!tpu.dma_semaphore, #tpu.memory_space<semaphore_mem>>
        %dma_start3A_86 = arith.constant 0 : i32
        %dma_start3A_87 = arith.constant 0 : i32
        %dma_start3A_88 = tpu.memref_slice %arg6[%dma_start3A_86, %dma_start3A_87] : memref<10240x144xf32, #tpu.memory_space<vmem_shared>> -> memref<10240x144xf32, #tpu.memory_space<vmem_shared>>
        tpu.enqueue_indirect_dma source(%arg10 : memref<128x144xf32, #tpu.memory_space<vmem>>) target(%dma_start3A_88 : memref<10240x144xf32, #tpu.memory_space<vmem_shared>>) offsets(%arg9 : memref<128xi32, #tpu.memory_space<vmem>>) semaphore(%run_scoped3A : memref<!tpu.dma_semaphore, #tpu.memory_space<semaphore_mem>>) {add = true}
        %dma_wait3A_89 = arith.constant 0 : i32
        %dma_wait3A_90 = arith.constant 0 : i32
        %dma_wait3A_91 = tpu.memref_slice %arg6[%dma_wait3A_89, %dma_wait3A_90] : memref<10240x144xf32, #tpu.memory_space<vmem_shared>> -> memref<10240x144xf32, #tpu.memory_space<vmem_shared>>
        tpu.wait_indirect_dma semaphore(%run_scoped3A : memref<!tpu.dma_semaphore, #tpu.memory_space<semaphore_mem>>) src(%arg10 : memref<128x144xf32, #tpu.memory_space<vmem>>) dst(%dma_wait3A_91 : memref<10240x144xf32, #tpu.memory_space<vmem_shared>>)
        tpu.yield
      }) : () -> ()
    }
    %scan3A_27 = arith.constant 39 : i32
    %add3A_28 = arith.constant 9984 : i32
    %add3A_29 = arith.addi %mul3A_0, %add3A_28 : i32
    "tpu.region"() ({
      %run_scoped3A = tpu.sem_alloc : memref<!tpu.dma_semaphore, #tpu.memory_space<semaphore_mem>>
      %dma_start3A_38 = tpu.memref_slice %arg3[%add3A_29] : memref<160000xi32, #tpu.memory_space<hbm>> -> memref<16xi32, #tpu.memory_space<hbm>>
      %dma_start3A_39 = tpu.memref_slice %arg3[%add3A_29] : memref<160000xi32, #tpu.memory_space<hbm>> -> memref<16xi32, #tpu.memory_space<hbm>>
      tpu.enqueue_dma source(%dma_start3A_39 : memref<16xi32, #tpu.memory_space<hbm>>) target(%arg11 : memref<16xi32, #tpu.memory_space<vmem>>) target_semaphore(%run_scoped3A : memref<!tpu.dma_semaphore, #tpu.memory_space<semaphore_mem>>)
      %dma_wait3A = tpu.memref_slice %arg3[%add3A_29] : memref<160000xi32, #tpu.memory_space<hbm>> -> memref<16xi32, #tpu.memory_space<hbm>>
      %dma_wait3A_40 = tpu.memref_slice %arg3[%add3A_29] : memref<160000xi32, #tpu.memory_space<hbm>> -> memref<16xi32, #tpu.memory_space<hbm>>
      tpu.wait_dma2 semaphore(%run_scoped3A : memref<!tpu.dma_semaphore, #tpu.memory_space<semaphore_mem>>) src(%dma_wait3A_40 : memref<16xi32, #tpu.memory_space<hbm>>) dst(%arg11 : memref<16xi32, #tpu.memory_space<vmem>>)
      tpu.yield
    }) : () -> ()
    %add3A_30 = arith.constant 9984 : i32
    %add3A_31 = arith.addi %add3A, %add3A_30 : i32
    "tpu.region"() ({
      %run_scoped3A = tpu.sem_alloc : memref<!tpu.dma_semaphore, #tpu.memory_space<semaphore_mem>>
      %dma_start3A_38 = arith.constant 0 : i32
      %dma_start3A_39 = arith.constant 0 : i32
      %dma_start3A_40 = tpu.memref_slice %arg8[%dma_start3A_38, %dma_start3A_39] : memref<128x144xf32, #tpu.memory_space<vmem>> -> memref<16x144xf32, #tpu.memory_space<vmem>>
      %dma_start3A_41 = arith.constant 0 : i32
      %dma_start3A_42 = tpu.memref_slice %arg2[%add3A_31, %dma_start3A_41] : memref<320000x144xf32, #tpu.memory_space<hbm>> -> memref<16x144xf32, #tpu.memory_space<hbm>>
      %dma_start3A_43 = arith.constant 0 : i32
      %dma_start3A_44 = arith.constant 0 : i32
      %dma_start3A_45 = tpu.memref_slice %arg8[%dma_start3A_43, %dma_start3A_44] : memref<128x144xf32, #tpu.memory_space<vmem>> -> memref<16x144xf32, #tpu.memory_space<vmem>>
      %dma_start3A_46 = arith.constant 0 : i32
      %dma_start3A_47 = tpu.memref_slice %arg2[%add3A_31, %dma_start3A_46] : memref<320000x144xf32, #tpu.memory_space<hbm>> -> memref<16x144xf32, #tpu.memory_space<hbm>>
      tpu.enqueue_dma source(%dma_start3A_47 : memref<16x144xf32, #tpu.memory_space<hbm>>) target(%dma_start3A_45 : memref<16x144xf32, #tpu.memory_space<vmem>>) target_semaphore(%run_scoped3A : memref<!tpu.dma_semaphore, #tpu.memory_space<semaphore_mem>>)
      %dma_wait3A = arith.constant 0 : i32
      %dma_wait3A_48 = arith.constant 0 : i32
      %dma_wait3A_49 = tpu.memref_slice %arg8[%dma_wait3A, %dma_wait3A_48] : memref<128x144xf32, #tpu.memory_space<vmem>> -> memref<16x144xf32, #tpu.memory_space<vmem>>
      %dma_wait3A_50 = arith.constant 0 : i32
      %dma_wait3A_51 = tpu.memref_slice %arg2[%add3A_31, %dma_wait3A_50] : memref<320000x144xf32, #tpu.memory_space<hbm>> -> memref<16x144xf32, #tpu.memory_space<hbm>>
      %dma_wait3A_52 = arith.constant 0 : i32
      %dma_wait3A_53 = arith.constant 0 : i32
      %dma_wait3A_54 = tpu.memref_slice %arg8[%dma_wait3A_52, %dma_wait3A_53] : memref<128x144xf32, #tpu.memory_space<vmem>> -> memref<16x144xf32, #tpu.memory_space<vmem>>
      %dma_wait3A_55 = arith.constant 0 : i32
      %dma_wait3A_56 = tpu.memref_slice %arg2[%add3A_31, %dma_wait3A_55] : memref<320000x144xf32, #tpu.memory_space<hbm>> -> memref<16x144xf32, #tpu.memory_space<hbm>>
      tpu.wait_dma2 semaphore(%run_scoped3A : memref<!tpu.dma_semaphore, #tpu.memory_space<semaphore_mem>>) src(%dma_wait3A_56 : memref<16x144xf32, #tpu.memory_space<hbm>>) dst(%dma_wait3A_54 : memref<16x144xf32, #tpu.memory_space<vmem>>)
      tpu.yield
    }) : () -> ()
    "tpu.region"() ({
      %run_scoped3A = tpu.sem_alloc : memref<!tpu.dma_semaphore, #tpu.memory_space<semaphore_mem>>
      %dma_start3A_38 = arith.constant 0 : i32
      %dma_start3A_39 = arith.constant 0 : i32
      %dma_start3A_40 = tpu.memref_slice %arg8[%dma_start3A_38, %dma_start3A_39] : memref<128x144xf32, #tpu.memory_space<vmem>> -> memref<16x144xf32, #tpu.memory_space<vmem>>
      %dma_start3A_41 = arith.constant 0 : i32
      %dma_start3A_42 = arith.constant 0 : i32
      %dma_start3A_43 = tpu.memref_slice %arg6[%dma_start3A_41, %dma_start3A_42] : memref<10240x144xf32, #tpu.memory_space<vmem_shared>> -> memref<10240x144xf32, #tpu.memory_space<vmem_shared>>
      tpu.enqueue_indirect_dma source(%dma_start3A_40 : memref<16x144xf32, #tpu.memory_space<vmem>>) target(%dma_start3A_43 : memref<10240x144xf32, #tpu.memory_space<vmem_shared>>) offsets(%arg11 : memref<16xi32, #tpu.memory_space<vmem>>) semaphore(%run_scoped3A : memref<!tpu.dma_semaphore, #tpu.memory_space<semaphore_mem>>) {add = true}
      %dma_wait3A = arith.constant 0 : i32
      %dma_wait3A_44 = arith.constant 0 : i32
      %dma_wait3A_45 = tpu.memref_slice %arg8[%dma_wait3A, %dma_wait3A_44] : memref<128x144xf32, #tpu.memory_space<vmem>> -> memref<16x144xf32, #tpu.memory_space<vmem>>
      %dma_wait3A_46 = arith.constant 0 : i32
      %dma_wait3A_47 = arith.constant 0 : i32
      %dma_wait3A_48 = tpu.memref_slice %arg6[%dma_wait3A_46, %dma_wait3A_47] : memref<10240x144xf32, #tpu.memory_space<vmem_shared>> -> memref<10240x144xf32, #tpu.memory_space<vmem_shared>>
      tpu.wait_indirect_dma semaphore(%run_scoped3A : memref<!tpu.dma_semaphore, #tpu.memory_space<semaphore_mem>>) src(%dma_wait3A_45 : memref<16x144xf32, #tpu.memory_space<vmem>>) dst(%dma_wait3A_48 : memref<10240x144xf32, #tpu.memory_space<vmem_shared>>)
      tpu.yield
    }) : () -> ()
    %barrier3A_32 = arith.constant 0 : index
    tpu.barrier barrier_id(%barrier3A_32)
    %scan3A_33 = arith.constant 0 : i32
    %scan3A_34 = arith.constant 5 : i32
    %scan3A_35 = arith.addi %scan3A_33, %scan3A_34 : i32
    %scan3A_36 = arith.constant 1 : i32
    scf.for %scan3A_38 = %scan3A_33 to %scan3A_35 step %scan3A_36  : i32 {
      %mul3A_39 = arith.constant 1 : i32
      %mul3A_40 = arith.muli %scan3A_38, %mul3A_39 : i32
      %add3A_41 = arith.constant 0 : i32
      %add3A_42 = arith.addi %add3A_41, %mul3A_40 : i32
      %mul3A_43 = arith.constant 128 : i32
      %mul3A_44 = arith.muli %add3A_42, %mul3A_43 : i32
      %add3A_45 = arith.addi %mul3A_4, %mul3A_44 : i32
      "tpu.region"() ({
        %run_scoped3A = tpu.sem_alloc : memref<!tpu.dma_semaphore, #tpu.memory_space<semaphore_mem>>
        %dma_start3A_53 = arith.constant 0 : i32
        %dma_start3A_54 = tpu.memref_slice %arg6[%add3A_45, %dma_start3A_53] : memref<10240x144xf32, #tpu.memory_space<vmem_shared>> -> memref<128x144xf32, #tpu.memory_space<vmem_shared>>
        %dma_start3A_55 = arith.constant 0 : i32
        %dma_start3A_56 = tpu.memref_slice %arg6[%add3A_45, %dma_start3A_55] : memref<10240x144xf32, #tpu.memory_space<vmem_shared>> -> memref<128x144xf32, #tpu.memory_space<vmem_shared>>
        tpu.enqueue_dma source(%dma_start3A_56 : memref<128x144xf32, #tpu.memory_space<vmem_shared>>) target(%arg8 : memref<128x144xf32, #tpu.memory_space<vmem>>) target_semaphore(%run_scoped3A : memref<!tpu.dma_semaphore, #tpu.memory_space<semaphore_mem>>)
        %dma_wait3A = arith.constant 0 : i32
        %dma_wait3A_57 = tpu.memref_slice %arg6[%add3A_45, %dma_wait3A] : memref<10240x144xf32, #tpu.memory_space<vmem_shared>> -> memref<128x144xf32, #tpu.memory_space<vmem_shared>>
        %dma_wait3A_58 = arith.constant 0 : i32
        %dma_wait3A_59 = tpu.memref_slice %arg6[%add3A_45, %dma_wait3A_58] : memref<10240x144xf32, #tpu.memory_space<vmem_shared>> -> memref<128x144xf32, #tpu.memory_space<vmem_shared>>
        tpu.wait_dma2 semaphore(%run_scoped3A : memref<!tpu.dma_semaphore, #tpu.memory_space<semaphore_mem>>) src(%dma_wait3A_59 : memref<128x144xf32, #tpu.memory_space<vmem_shared>>) dst(%arg8 : memref<128x144xf32, #tpu.memory_space<vmem>>)
        tpu.yield
      }) : () -> ()
      %eq3A = arith.constant 0 : i32
      %eq3A_46 = arith.cmpi eq, %arg0, %eq3A : i32
      %convert_element_type3A = arith.extui %eq3A_46 : i1 to i32
      %cond3A = arith.constant 0 : i32
      %cond3A_47 = arith.cmpi ne, %convert_element_type3A, %cond3A : i32
      scf.if %cond3A_47 {
        "tpu.region"() ({
          %run_scoped3A = tpu.sem_alloc : memref<!tpu.dma_semaphore, #tpu.memory_space<semaphore_mem>>
          %dma_start3A_53 = arith.constant 0 : i32
          %dma_start3A_54 = tpu.memref_slice %arg4[%add3A_45, %dma_start3A_53] : memref<10240x144xf32, #tpu.memory_space<hbm>> -> memref<128x144xf32, #tpu.memory_space<hbm>>
          %dma_start3A_55 = arith.constant 0 : i32
          %dma_start3A_56 = tpu.memref_slice %arg4[%add3A_45, %dma_start3A_55] : memref<10240x144xf32, #tpu.memory_space<hbm>> -> memref<128x144xf32, #tpu.memory_space<hbm>>
          tpu.enqueue_dma source(%arg8 : memref<128x144xf32, #tpu.memory_space<vmem>>) target(%dma_start3A_56 : memref<128x144xf32, #tpu.memory_space<hbm>>) target_semaphore(%run_scoped3A : memref<!tpu.dma_semaphore, #tpu.memory_space<semaphore_mem>>)
          %dma_wait3A = arith.constant 0 : i32
          %dma_wait3A_57 = tpu.memref_slice %arg4[%add3A_45, %dma_wait3A] : memref<10240x144xf32, #tpu.memory_space<hbm>> -> memref<128x144xf32, #tpu.memory_space<hbm>>
          %dma_wait3A_58 = arith.constant 0 : i32
          %dma_wait3A_59 = tpu.memref_slice %arg4[%add3A_45, %dma_wait3A_58] : memref<10240x144xf32, #tpu.memory_space<hbm>> -> memref<128x144xf32, #tpu.memory_space<hbm>>
          tpu.wait_dma2 semaphore(%run_scoped3A : memref<!tpu.dma_semaphore, #tpu.memory_space<semaphore_mem>>) src(%arg8 : memref<128x144xf32, #tpu.memory_space<vmem>>) dst(%dma_wait3A_59 : memref<128x144xf32, #tpu.memory_space<hbm>>)
          tpu.yield
        }) : () -> ()
      } else {
      }
      %eq3A_48 = arith.constant 1 : i32
      %eq3A_49 = arith.cmpi eq, %arg0, %eq3A_48 : i32
      %convert_element_type3A_50 = arith.extui %eq3A_49 : i1 to i32
      %cond3A_51 = arith.constant 0 : i32
      %cond3A_52 = arith.cmpi ne, %convert_element_type3A_50, %cond3A_51 : i32
      scf.if %cond3A_52 {
        "tpu.region"() ({
          %run_scoped3A = tpu.sem_alloc : memref<!tpu.dma_semaphore, #tpu.memory_space<semaphore_mem>>
          %dma_start3A_53 = arith.constant 0 : i32
          %dma_start3A_54 = tpu.memref_slice %arg5[%add3A_45, %dma_start3A_53] : memref<10240x144xf32, #tpu.memory_space<hbm>> -> memref<128x144xf32, #tpu.memory_space<hbm>>
          %dma_start3A_55 = arith.constant 0 : i32
          %dma_start3A_56 = tpu.memref_slice %arg5[%add3A_45, %dma_start3A_55] : memref<10240x144xf32, #tpu.memory_space<hbm>> -> memref<128x144xf32, #tpu.memory_space<hbm>>
          tpu.enqueue_dma source(%arg8 : memref<128x144xf32, #tpu.memory_space<vmem>>) target(%dma_start3A_56 : memref<128x144xf32, #tpu.memory_space<hbm>>) target_semaphore(%run_scoped3A : memref<!tpu.dma_semaphore, #tpu.memory_space<semaphore_mem>>)
          %dma_wait3A = arith.constant 0 : i32
          %dma_wait3A_57 = tpu.memref_slice %arg5[%add3A_45, %dma_wait3A] : memref<10240x144xf32, #tpu.memory_space<hbm>> -> memref<128x144xf32, #tpu.memory_space<hbm>>
          %dma_wait3A_58 = arith.constant 0 : i32
          %dma_wait3A_59 = tpu.memref_slice %arg5[%add3A_45, %dma_wait3A_58] : memref<10240x144xf32, #tpu.memory_space<hbm>> -> memref<128x144xf32, #tpu.memory_space<hbm>>
          tpu.wait_dma2 semaphore(%run_scoped3A : memref<!tpu.dma_semaphore, #tpu.memory_space<semaphore_mem>>) src(%arg8 : memref<128x144xf32, #tpu.memory_space<vmem>>) dst(%dma_wait3A_59 : memref<128x144xf32, #tpu.memory_space<hbm>>)
          tpu.yield
        }) : () -> ()
      } else {
      }
    }
    %scan3A_37 = arith.constant 5 : i32
    return
  }
}

module attributes {stable_mosaic.version = 14 : i64} {
  func.func @_proj_body(%arg0: i32, %arg1: i32, %arg2: memref<2000x256xf32, #tpu.memory_space<vmem>>, %arg3: memref<256x128xf32, #tpu.memory_space<vmem>>, %arg4: memref<256x128xf32, #tpu.memory_space<vmem>>, %arg5: memref<256x128xf32, #tpu.memory_space<vmem>>, %arg6: memref<1x1x128xf32, #tpu.memory_space<vmem>>, %arg7: memref<1x1x128xf32, #tpu.memory_space<vmem>>, %arg8: memref<1x1x128xf32, #tpu.memory_space<vmem>>, %arg9: memref<2000x128xf32, #tpu.memory_space<vmem>>, %arg10: memref<2000x256xf32, #tpu.memory_space<vmem>>) attributes {dimension_semantics = [#tpu.dimension_semantics<parallel>, #tpu.dimension_semantics<parallel>], iteration_bounds = array<i64: 2, 5>, scalar_prefetch = 0 : i64, scratch_operands = 0 : i64, tpu.core_type = #tpu.core_type<tc>, window_params = [{transform_indices = @transform_0, window_bounds = array<i64: 2000, 256>}, {transform_indices = @transform_1, window_bounds = array<i64: 256, 128>}, {transform_indices = @transform_2, window_bounds = array<i64: 256, 128>}, {transform_indices = @transform_3, window_bounds = array<i64: 256, 128>}, {transform_indices = @transform_4, window_bounds = array<i64: 1, 1, 128>}, {transform_indices = @transform_5, window_bounds = array<i64: 1, 1, 128>}, {transform_indices = @transform_6, window_bounds = array<i64: 1, 1, 128>}, {transform_indices = @transform_7, window_bounds = array<i64: 2000, 128>}, {transform_indices = @transform_8, window_bounds = array<i64: 2000, 256>}]} {
    %get3A = arith.constant 0 : index
    %get3A_0 = arith.constant 0 : index
    %get3A_1 = vector.load %arg2[%get3A, %get3A_0] : memref<2000x256xf32, #tpu.memory_space<vmem>>, vector<2000x256xf32>
    %get3A_2 = arith.constant 0 : index
    %get3A_3 = arith.constant 0 : index
    %get3A_4 = vector.load %arg3[%get3A_2, %get3A_3] : memref<256x128xf32, #tpu.memory_space<vmem>>, vector<256x128xf32>
    %dot_general3A = arith.constant dense<0.000000e+00> : vector<2000x128xf32>
    %dot_general3A_5 = tpu.matmul %get3A_1, %get3A_4, %dot_general3A {dimension_numbers = #tpu.dot_dimension_numbers<[1], [0], [0], [1], [0, 0, 1, 1], [], []>, transpose_lhs_hint = false} : vector<2000x256xf32>, vector<256x128xf32>, vector<2000x128xf32> -> vector<2000x128xf32>
    %get3A_6 = arith.constant 0 : index
    %get3A_7 = arith.constant 0 : index
    %get3A_8 = arith.constant 0 : index
    %get3A_9 = vector.load %arg6[%get3A_6, %get3A_7, %get3A_8] : memref<1x1x128xf32, #tpu.memory_space<vmem>>, vector<1x1x128xf32>
    %get3A_10 = vector.shape_cast %get3A_9 : vector<1x1x128xf32> to vector<1x128xf32>
    %add3A = vector.broadcast %get3A_10 : vector<1x128xf32> to vector<2000x128xf32>
    %add3A_11 = arith.addf %dot_general3A_5, %add3A : vector<2000x128xf32>
    %mul3A = arith.constant 0.176776692 : f32
    %mul3A_12 = vector.broadcast %mul3A : f32 to vector<2000x128xf32>
    %mul3A_13 = arith.mulf %add3A_11, %mul3A_12 : vector<2000x128xf32>
    %swap3A = arith.constant 0 : index
    %swap3A_14 = arith.constant 0 : index
    %swap3A_15 = vector.load %arg9[%swap3A, %swap3A_14] : memref<2000x128xf32, #tpu.memory_space<vmem>>, vector<2000x128xf32>
    tpu.vector_store %arg9[%swap3A, %swap3A_14], %mul3A_13 {strides = array<i32>} : memref<2000x128xf32, #tpu.memory_space<vmem>>, vector<2000x128xf32>,
    %get3A_16 = arith.constant 0 : index
    %get3A_17 = arith.constant 0 : index
    %get3A_18 = vector.load %arg4[%get3A_16, %get3A_17] : memref<256x128xf32, #tpu.memory_space<vmem>>, vector<256x128xf32>
    %dot_general3A_19 = arith.constant dense<0.000000e+00> : vector<2000x128xf32>
    %dot_general3A_20 = tpu.matmul %get3A_1, %get3A_18, %dot_general3A_19 {dimension_numbers = #tpu.dot_dimension_numbers<[1], [0], [0], [1], [0, 0, 1, 1], [], []>, transpose_lhs_hint = false} : vector<2000x256xf32>, vector<256x128xf32>, vector<2000x128xf32> -> vector<2000x128xf32>
    %get3A_21 = arith.constant 0 : index
    %get3A_22 = arith.constant 0 : index
    %get3A_23 = vector.load %arg5[%get3A_21, %get3A_22] : memref<256x128xf32, #tpu.memory_space<vmem>>, vector<256x128xf32>
    %dot_general3A_24 = arith.constant dense<0.000000e+00> : vector<2000x128xf32>
    %dot_general3A_25 = tpu.matmul %get3A_1, %get3A_23, %dot_general3A_24 {dimension_numbers = #tpu.dot_dimension_numbers<[1], [0], [0], [1], [0, 0, 1, 1], [], []>, transpose_lhs_hint = false} : vector<2000x256xf32>, vector<256x128xf32>, vector<2000x128xf32> -> vector<2000x128xf32>
    %get3A_26 = arith.constant 0 : index
    %get3A_27 = arith.constant 0 : index
    %get3A_28 = arith.constant 0 : index
    %get3A_29 = vector.load %arg7[%get3A_26, %get3A_27, %get3A_28] : memref<1x1x128xf32, #tpu.memory_space<vmem>>, vector<1x1x128xf32>
    %get3A_30 = vector.shape_cast %get3A_29 : vector<1x1x128xf32> to vector<1x128xf32>
    %add3A_31 = vector.broadcast %get3A_30 : vector<1x128xf32> to vector<2000x128xf32>
    %add3A_32 = arith.addf %dot_general3A_20, %add3A_31 : vector<2000x128xf32>
    %get3A_33 = arith.constant 0 : index
    %get3A_34 = arith.constant 0 : index
    %get3A_35 = arith.constant 0 : index
    %get3A_36 = vector.load %arg8[%get3A_33, %get3A_34, %get3A_35] : memref<1x1x128xf32, #tpu.memory_space<vmem>>, vector<1x1x128xf32>
    %get3A_37 = vector.shape_cast %get3A_36 : vector<1x1x128xf32> to vector<1x128xf32>
    %add3A_38 = vector.broadcast %get3A_37 : vector<1x128xf32> to vector<2000x128xf32>
    %add3A_39 = arith.addf %dot_general3A_25, %add3A_38 : vector<2000x128xf32>
    %concatenate3A = tpu.concatenate %add3A_32, %add3A_39 in 1 : vector<2000x128xf32>, vector<2000x128xf32> -> vector<2000x256xf32>
    %swap3A_40 = arith.constant 0 : index
    %swap3A_41 = arith.constant 0 : index
    %swap3A_42 = vector.load %arg10[%swap3A_40, %swap3A_41] : memref<2000x256xf32, #tpu.memory_space<vmem>>, vector<2000x256xf32>
    tpu.vector_store %arg10[%swap3A_40, %swap3A_41], %concatenate3A {strides = array<i32>} : memref<2000x256xf32, #tpu.memory_space<vmem>>, vector<2000x256xf32>,
    return
  }
  func.func @transform_0(%arg0: i32, %arg1: i32) -> (i32, i32) {
    %c0_i32 = arith.constant 0 : i32
    %c0_i32_0 = arith.constant 0 : i32
    return %arg1, %c0_i32 : i32, i32
  }
  func.func @transform_1(%arg0: i32, %arg1: i32) -> (i32, i32) {
    %c0_i32 = arith.constant 0 : i32
    %c0_i32_0 = arith.constant 0 : i32
    return %c0_i32, %arg0 : i32, i32
  }
  func.func @transform_2(%arg0: i32, %arg1: i32) -> (i32, i32) {
    %c0_i32 = arith.constant 0 : i32
    %c0_i32_0 = arith.constant 0 : i32
    return %c0_i32, %arg0 : i32, i32
  }
  func.func @transform_3(%arg0: i32, %arg1: i32) -> (i32, i32) {
    %c0_i32 = arith.constant 0 : i32
    %c0_i32_0 = arith.constant 0 : i32
    return %c0_i32, %arg0 : i32, i32
  }
  func.func @transform_4(%arg0: i32, %arg1: i32) -> (i32, i32, i32) {
    %c0_i32 = arith.constant 0 : i32
    %c0_i32_0 = arith.constant 0 : i32
    %c0_i32_1 = arith.constant 0 : i32
    return %arg0, %c0_i32, %c0_i32_0 : i32, i32, i32
  }
  func.func @transform_5(%arg0: i32, %arg1: i32) -> (i32, i32, i32) {
    %c0_i32 = arith.constant 0 : i32
    %c0_i32_0 = arith.constant 0 : i32
    %c0_i32_1 = arith.constant 0 : i32
    return %arg0, %c0_i32, %c0_i32_0 : i32, i32, i32
  }
  func.func @transform_6(%arg0: i32, %arg1: i32) -> (i32, i32, i32) {
    %c0_i32 = arith.constant 0 : i32
    %c0_i32_0 = arith.constant 0 : i32
    %c0_i32_1 = arith.constant 0 : i32
    return %arg0, %c0_i32, %c0_i32_0 : i32, i32, i32
  }
  func.func @transform_7(%arg0: i32, %arg1: i32) -> (i32, i32) {
    %mul3A = arith.constant 5 : i32
    %mul3A_0 = arith.muli %arg0, %mul3A : i32
    %add3A = arith.addi %mul3A_0, %arg1 : i32
    %c0_i32 = arith.constant 0 : i32
    %c0_i32_1 = arith.constant 0 : i32
    return %add3A, %c0_i32 : i32, i32
  }
  func.func @transform_8(%arg0: i32, %arg1: i32) -> (i32, i32) {
    %mul3A = arith.constant 5 : i32
    %mul3A_0 = arith.muli %arg0, %mul3A : i32
    %add3A = arith.addi %mul3A_0, %arg1 : i32
    %c0_i32 = arith.constant 0 : i32
    %c0_i32_1 = arith.constant 0 : i32
    return %add3A, %c0_i32 : i32, i32
  }
}

module attributes {stable_mosaic.version = 14 : i64} {
  func.func @_edge_body(%arg0: i32, %arg1: memref<2000x256xf32, #tpu.memory_space<vmem>>, %arg2: memref<2000x128xf32, #tpu.memory_space<vmem>>, %arg3: memref<128x16xf32, #tpu.memory_space<vmem>>, %arg4: memref<16x144xf32, #tpu.memory_space<vmem>>, %arg5: memref<2000x144xf32, #tpu.memory_space<vmem>>) attributes {dimension_semantics = [#tpu.dimension_semantics<parallel>], iteration_bounds = array<i64: 160>, scalar_prefetch = 0 : i64, scratch_operands = 0 : i64, tpu.core_type = #tpu.core_type<tc>, window_params = [{transform_indices = @transform_0, window_bounds = array<i64: 2000, 256>}, {transform_indices = @transform_1, window_bounds = array<i64: 2000, 128>}, {pipeline_mode = #tpu.pipeline_mode<synchronous>, transform_indices = @transform_2, window_bounds = array<i64: 128, 16>}, {pipeline_mode = #tpu.pipeline_mode<synchronous>, transform_indices = @transform_3, window_bounds = array<i64: 16, 144>}, {transform_indices = @transform_4, window_bounds = array<i64: 2000, 144>}]} {
    %get3A = arith.constant 0 : index
    %get3A_0 = arith.constant 0 : index
    %get3A_1 = vector.load %arg1[%get3A, %get3A_0] : memref<2000x256xf32, #tpu.memory_space<vmem>>, vector<2000x256xf32>
    %slice3A = vector.extract_strided_slice %get3A_1 {offsets = [0, 0], sizes = [2000, 128], strides = [1, 1]} : vector<2000x256xf32> to vector<2000x128xf32>
    %slice3A_2 = vector.extract_strided_slice %get3A_1 {offsets = [0, 128], sizes = [2000, 128], strides = [1, 1]} : vector<2000x256xf32> to vector<2000x128xf32>
    %get3A_3 = arith.constant 0 : index
    %get3A_4 = arith.constant 0 : index
    %get3A_5 = vector.load %arg2[%get3A_3, %get3A_4] : memref<2000x128xf32, #tpu.memory_space<vmem>>, vector<2000x128xf32>
    %mul3A = arith.mulf %slice3A, %get3A_5 : vector<2000x128xf32>
    %get3A_6 = arith.constant 0 : index
    %get3A_7 = arith.constant 0 : index
    %get3A_8 = vector.load %arg3[%get3A_6, %get3A_7] : memref<128x16xf32, #tpu.memory_space<vmem>>, vector<128x16xf32>
    %dot_general3A = arith.constant dense<0.000000e+00> : vector<2000x16xf32>
    %dot_general3A_9 = tpu.matmul %mul3A, %get3A_8, %dot_general3A {dimension_numbers = #tpu.dot_dimension_numbers<[1], [0], [0], [1], [0, 0, 1, 1], [], []>, transpose_lhs_hint = false} : vector<2000x128xf32>, vector<128x16xf32>, vector<2000x16xf32> -> vector<2000x16xf32>
    %exp3A = math.exp %dot_general3A_9 : vector<2000x16xf32>
    %get3A_10 = arith.constant 0 : index
    %get3A_11 = arith.constant 0 : index
    %get3A_12 = vector.load %arg4[%get3A_10, %get3A_11] : memref<16x144xf32, #tpu.memory_space<vmem>>, vector<16x144xf32>
    %dot_general3A_13 = arith.constant dense<0.000000e+00> : vector<2000x144xf32>
    %dot_general3A_14 = tpu.matmul %exp3A, %get3A_12, %dot_general3A_13 {dimension_numbers = #tpu.dot_dimension_numbers<[1], [0], [0], [1], [0, 0, 1, 1], [], []>, transpose_lhs_hint = false} : vector<2000x16xf32>, vector<16x144xf32>, vector<2000x144xf32> -> vector<2000x144xf32>
    %broadcast_in_dim3A = arith.constant 1.000000e+00 : f32
    %broadcast_in_dim3A_15 = vector.broadcast %broadcast_in_dim3A : f32 to vector<2000x16xf32>
    %concatenate3A = tpu.concatenate %slice3A_2, %broadcast_in_dim3A_15 in 1 : vector<2000x128xf32>, vector<2000x16xf32> -> vector<2000x144xf32>
    %mul3A_16 = arith.mulf %concatenate3A, %dot_general3A_14 : vector<2000x144xf32>
    %swap3A = arith.constant 0 : index
    %swap3A_17 = arith.constant 0 : index
    %swap3A_18 = vector.load %arg5[%swap3A, %swap3A_17] : memref<2000x144xf32, #tpu.memory_space<vmem>>, vector<2000x144xf32>
    tpu.vector_store %arg5[%swap3A, %swap3A_17], %mul3A_16 {strides = array<i32>} : memref<2000x144xf32, #tpu.memory_space<vmem>>, vector<2000x144xf32>,
    return
  }
  func.func @transform_0(%arg0: i32) -> (i32, i32) {
    %c0_i32 = arith.constant 0 : i32
    %c0_i32_0 = arith.constant 0 : i32
    return %arg0, %c0_i32 : i32, i32
  }
  func.func @transform_1(%arg0: i32) -> (i32, i32) {
    %c0_i32 = arith.constant 0 : i32
    %c0_i32_0 = arith.constant 0 : i32
    return %arg0, %c0_i32 : i32, i32
  }
  func.func @transform_2(%arg0: i32) -> (i32, i32) {
    %c0_i32 = arith.constant 0 : i32
    %c0_i32_0 = arith.constant 0 : i32
    %c0_i32_1 = arith.constant 0 : i32
    return %c0_i32, %c0_i32_0 : i32, i32
  }
  func.func @transform_3(%arg0: i32) -> (i32, i32) {
    %c0_i32 = arith.constant 0 : i32
    %c0_i32_0 = arith.constant 0 : i32
    %c0_i32_1 = arith.constant 0 : i32
    return %c0_i32, %c0_i32_0 : i32, i32
  }
  func.func @transform_4(%arg0: i32) -> (i32, i32) {
    %c0_i32 = arith.constant 0 : i32
    %c0_i32_0 = arith.constant 0 : i32
    return %arg0, %c0_i32 : i32, i32
  }
}

module attributes {stable_mosaic.version = 14 : i64} {
  func.func @_outproj_body(%arg0: i32, %arg1: memref<2000x144xf32, #tpu.memory_space<vmem>>, %arg2: memref<2000x144xf32, #tpu.memory_space<vmem>>, %arg3: memref<256x256xf32, #tpu.memory_space<vmem>>, %arg4: memref<1x256xf32, #tpu.memory_space<vmem>>, %arg5: memref<2000x256xf32, #tpu.memory_space<vmem>>) attributes {dimension_semantics = [#tpu.dimension_semantics<arbitrary>], iteration_bounds = array<i64: 5>, scalar_prefetch = 0 : i64, scratch_operands = 0 : i64, tpu.core_type = #tpu.core_type<tc>, window_params = [{transform_indices = @transform_0, window_bounds = array<i64: 2000, 144>}, {transform_indices = @transform_1, window_bounds = array<i64: 2000, 144>}, {pipeline_mode = #tpu.pipeline_mode<synchronous>, transform_indices = @transform_2, window_bounds = array<i64: 256, 256>}, {pipeline_mode = #tpu.pipeline_mode<synchronous>, transform_indices = @transform_3, window_bounds = array<i64: 1, 256>}, {transform_indices = @transform_4, window_bounds = array<i64: 2000, 256>}]} {
    %get3A = arith.constant 0 : index
    %get3A_0 = arith.constant 0 : index
    %get3A_1 = vector.load %arg1[%get3A, %get3A_0] : memref<2000x144xf32, #tpu.memory_space<vmem>>, vector<2000x144xf32>
    %get3A_2 = arith.constant 0 : index
    %get3A_3 = arith.constant 0 : index
    %get3A_4 = vector.load %arg2[%get3A_2, %get3A_3] : memref<2000x144xf32, #tpu.memory_space<vmem>>, vector<2000x144xf32>
    %slice3A = vector.extract_strided_slice %get3A_1 {offsets = [0, 128], sizes = [2000, 4], strides = [1, 1]} : vector<2000x144xf32> to vector<2000x4xf32>
    %slice3A_5 = vector.extract_strided_slice %get3A_4 {offsets = [0, 128], sizes = [2000, 4], strides = [1, 1]} : vector<2000x144xf32> to vector<2000x4xf32>
    %concatenate3A = tpu.concatenate %slice3A, %slice3A_5 in 1 : vector<2000x4xf32>, vector<2000x4xf32> -> vector<2000x8xf32>
    %gt3A = arith.constant 0.000000e+00 : f32
    %gt3A_6 = vector.broadcast %gt3A : f32 to vector<2000x8xf32>
    %gt3A_7 = arith.cmpf ogt, %concatenate3A, %gt3A_6 : vector<2000x8xf32>
    %jit3A = arith.constant 1.000000e+00 : f32
    %broadcast_in_dim3A = vector.broadcast %jit3A : f32 to vector<2000x8xf32>
    %select_n3A = arith.select %gt3A_7, %concatenate3A, %broadcast_in_dim3A : vector<2000x8xi1>, vector<2000x8xf32>
    %slice3A_8 = vector.extract_strided_slice %get3A_1 {offsets = [0, 0], sizes = [2000, 128], strides = [1, 1]} : vector<2000x144xf32> to vector<2000x128xf32>
    %reshape3A = vector.shape_cast %slice3A_8 : vector<2000x128xf32> to vector<2000x4x32xf32>
    %slice3A_9 = vector.extract_strided_slice %select_n3A {offsets = [0, 0], sizes = [2000, 4], strides = [1, 1]} : vector<2000x8xf32> to vector<2000x4xf32>
    %broadcast_in_dim3A_10 = vector.shape_cast %slice3A_9 : vector<2000x4xf32> to vector<2000x4x1xf32>
    %div3A = vector.broadcast %broadcast_in_dim3A_10 : vector<2000x4x1xf32> to vector<2000x4x32xf32>
    %div3A_11 = arith.divf %reshape3A, %div3A : vector<2000x4x32xf32>
    %reshape3A_12 = vector.shape_cast %div3A_11 : vector<2000x4x32xf32> to vector<2000x128xf32>
    %slice3A_13 = vector.extract_strided_slice %get3A_4 {offsets = [0, 0], sizes = [2000, 128], strides = [1, 1]} : vector<2000x144xf32> to vector<2000x128xf32>
    %reshape3A_14 = vector.shape_cast %slice3A_13 : vector<2000x128xf32> to vector<2000x4x32xf32>
    %slice3A_15 = vector.extract_strided_slice %select_n3A {offsets = [0, 4], sizes = [2000, 4], strides = [1, 1]} : vector<2000x8xf32> to vector<2000x4xf32>
    %broadcast_in_dim3A_16 = vector.shape_cast %slice3A_15 : vector<2000x4xf32> to vector<2000x4x1xf32>
    %div3A_17 = vector.broadcast %broadcast_in_dim3A_16 : vector<2000x4x1xf32> to vector<2000x4x32xf32>
    %div3A_18 = arith.divf %reshape3A_14, %div3A_17 : vector<2000x4x32xf32>
    %reshape3A_19 = vector.shape_cast %div3A_18 : vector<2000x4x32xf32> to vector<2000x128xf32>
    %concatenate3A_20 = tpu.concatenate %reshape3A_12, %reshape3A_19 in 1 : vector<2000x128xf32>, vector<2000x128xf32> -> vector<2000x256xf32>
    %get3A_21 = arith.constant 0 : index
    %get3A_22 = arith.constant 0 : index
    %get3A_23 = vector.load %arg3[%get3A_21, %get3A_22] : memref<256x256xf32, #tpu.memory_space<vmem>>, vector<256x256xf32>
    %dot_general3A = arith.constant dense<0.000000e+00> : vector<2000x256xf32>
    %dot_general3A_24 = tpu.matmul %concatenate3A_20, %get3A_23, %dot_general3A {dimension_numbers = #tpu.dot_dimension_numbers<[1], [0], [0], [1], [0, 0, 1, 1], [], []>, transpose_lhs_hint = false} : vector<2000x256xf32>, vector<256x256xf32>, vector<2000x256xf32> -> vector<2000x256xf32>
    %get3A_25 = arith.constant 0 : index
    %get3A_26 = arith.constant 0 : index
    %get3A_27 = vector.load %arg4[%get3A_25, %get3A_26] : memref<1x256xf32, #tpu.memory_space<vmem>>, vector<1x256xf32>
    %add3A = vector.broadcast %get3A_27 : vector<1x256xf32> to vector<2000x256xf32>
    %add3A_28 = arith.addf %dot_general3A_24, %add3A : vector<2000x256xf32>
    %swap3A = arith.constant 0 : index
    %swap3A_29 = arith.constant 0 : index
    %swap3A_30 = vector.load %arg5[%swap3A, %swap3A_29] : memref<2000x256xf32, #tpu.memory_space<vmem>>, vector<2000x256xf32>
    tpu.vector_store %arg5[%swap3A, %swap3A_29], %add3A_28 {strides = array<i32>} : memref<2000x256xf32, #tpu.memory_space<vmem>>, vector<2000x256xf32>,
    return
  }
  func.func @transform_0(%arg0: i32) -> (i32, i32) {
    %c0_i32 = arith.constant 0 : i32
    %c0_i32_0 = arith.constant 0 : i32
    return %arg0, %c0_i32 : i32, i32
  }
  func.func @transform_1(%arg0: i32) -> (i32, i32) {
    %c0_i32 = arith.constant 0 : i32
    %c0_i32_0 = arith.constant 0 : i32
    return %arg0, %c0_i32 : i32, i32
  }
  func.func @transform_2(%arg0: i32) -> (i32, i32) {
    %c0_i32 = arith.constant 0 : i32
    %c0_i32_0 = arith.constant 0 : i32
    %c0_i32_1 = arith.constant 0 : i32
    return %c0_i32, %c0_i32_0 : i32, i32
  }
  func.func @transform_3(%arg0: i32) -> (i32, i32) {
    %c0_i32 = arith.constant 0 : i32
    %c0_i32_0 = arith.constant 0 : i32
    %c0_i32_1 = arith.constant 0 : i32
    return %c0_i32, %c0_i32_0 : i32, i32
  }
  func.func @transform_4(%arg0: i32) -> (i32, i32) {
    %c0_i32 = arith.constant 0 : i32
    %c0_i32_0 = arith.constant 0 : i32
    return %arg0, %c0_i32 : i32, i32
  }
}

</mosaic_0001>

<sc_bundles>
// kernel: _run.10.cloned.1.call-start
scs
__scs_entry_jumppad:
0x0: {  	(pc) =	sbr.rel $0x88, $3  }
0x1: {  	(tag) =	ssettag $0x0;
	lr =	simm.s32 $0x1  }
0x2: {  	[smem:$0x3F97] =	sst lr;
	_ =	strace $0xD0000000  }
0x3: {  	_ = 	snop  }
0x4: {  	_ = 	snop  }
0x5: {  	_ = 	snop  }
0x6: {  	_ = 	snop  }
0x7: {  	_ = 	snop  }
__scs_overlays_trampoline_lowered:
0x8: {  	[smem:$0x3FA6] =	sst s0  }
0x9: {  	[smem:$0x3FA7] =	sst s1  }
0xa: {  	[smem:$0x3FA8] =	sst s2  }
0xb: {  	[smem:$0x3FA9] =	sst s3  }
0xc: {  	[smem:$0x3FAA] =	sst s4  }
0xd: {  	[smem:$0x3FAB] =	sst s5  }
0xe: {  	[smem:$0x3FAC] =	sst s6  }
0xf: {  	[smem:$0x3FAD] =	sst s7  }
0x10: {  	[smem:$0x3FAE] =	sst s8  }
0x11: {  	[smem:$0x3FAF] =	sst s9;
	s0 =	simm.s32 @!p0 $0x0  }
0x12: {  	s1 =	sld [smem:$0x3F95];
	s0 =	simm.s32 @p0 $0x1  }
0x13: {  	[smem:$0x3FB0] =	sst s0;
	s0 =	simm.s32 @!p1 $0x0  }
0x14: {  	s2 =	sld [smem:$0x3F94];
	s0 =	simm.s32 @p1 $0x1  }
0x15: {  	[smem:$0x3FB1] =	sst s0;
	s0 =	simm.s32 @!p2 $0x0  }
0x16: {  	s3 =	sld [smem:$0x3FDB];
	s0 =	simm.s32 @p2 $0x1  }
0x17: {  	s4 =	simm.s32 $0x1BF5;
	[smem:$0x3FB3] =	sst s0  }
0x18: {  	s0 =	sld [smem:$0x3F96];
	_ =	swait.ge [sflag:s4], $0x0  }
0x19: {  	s7 =	sld [smem:$0x3F97]  }
0x1a: {  	s8 =	sadd.s32 $0xFFFFE003, lr  }
0x1b: {  	s9 =	sadd.s32 $0xFFFFFEF7, lr;
	s5 =	simm.s32 $0xFFFFFFFF;
	p2 =	slt.u32 s8, $0xFFFFF086  }
0x1c: {  	p1 =	slt.u32 s9, $0xF7A;
	s5 =	simm.s32 @!p2 $0x0  }
0x1d: {  	s5 =	simm.s32 @p1 $0x1;
	p0 =	seq.s32 s7, s2  }
0x1e: {  	s7 =	smul.u32 @!p0 $0xF7A, s2;
	p2 =	seq.s32 @!p0 s5, $0x0  }
0x1f: {  	s9 =	smul.u32 $0xF7A, s1;
	s8 =	simm.s32 @!p0 $0x1BF5;
	p2 =	por !p2, p0  }
0x20: {  	[sflag:s8] =	ssyncset.s32 @!p0 $0xFFFFF086;
	s6 =	sadd.s32 @!p0 s3, s7;
	s7 =	simm.s32 @!p0 $0x108  }
0x21: {  	s3 =	sadd.s32 s3, s9;
	s6 =	sadd.s32 @!p0 $0x88, s6;
	s7 =	simm.s32 @p2 $0x1082  }
0x22: {  	[simem:s7], [sflag:s8] =	dma.local @!p0 [hbm:s6], $0xF7A  }
0x23: {  	s9 =	sor.u32 $0xD0000000, s2;
	s6 =	simm.s32 $0x108;
	_ =	swait.ge @!p0 [sflag:s8], $0x0  }
0x24: {  	s3 =	sadd.s32 $0x88, s3;
	s6 =	simm.s32 @!p1 $0x1082;
	[sflag:s4] =	ssyncset.s32 $0xFFFFF086  }
0x25: {  	[simem:s6], [sflag:s4] =	dma.local [hbm:s3], $0xF7A  }
0x26: {  	[smem:$0x3F97] =	sst s1;
	(tag) =	ssettag s2;
	_ =	strace s9  }
0x27: {  	s1 =	sld [smem:$0x3FA7]  }
0x28: {  	s2 =	sld [smem:$0x3FA8]  }
0x29: {  	s4 =	sld [smem:$0x3FAA]  }
0x2a: {  	p0 =	seq.s32 s5, $0x0;
	s5 =	sld [smem:$0x3FAB]  }
0x2b: {  	s6 =	sld [smem:$0x3FAC]  }
0x2c: {  	s7 =	sld [smem:$0x3FAD]  }
0x2d: {  	s3 =	simm.s32 $0x108;
	s8 =	sld [smem:$0x3FAE]  }
0x2e: {  	s3 =	simm.s32 @!p0 $0x1082;
	s9 =	sld [smem:$0x3FAF]  }
0x2f: {  	lr =	sadd.s32 s0, s3;
	s0 =	sld [smem:$0x3FA6]  }
0x30: {  	s3 =	sld [smem:$0x3FA9]  }
0x31: {  	[smem:$0x3FB2] =	sst s10  }
0x32: {  	s10 =	sld [smem:$0x3FB0];
	_ =	sdelay $0x3  }
0x33: {  	p0 =	seq.s32 s10, $0x1;
	s10 =	sld [smem:$0x3FB2];
	_ =	sdelay $0x3  }
0x34: {  	[smem:$0x3FB2] =	sst s10  }
0x35: {  	s10 =	sld [smem:$0x3FB1];
	_ =	sdelay $0x3  }
0x36: {  	p1 =	seq.s32 s10, $0x1;
	s10 =	sld [smem:$0x3FB2];
	_ =	sdelay $0x3  }
0x37: {  	[smem:$0x3FB2] =	sst s10  }
0x38: {  	s10 =	sld [smem:$0x3FB3]  }
0x39: {  	_ = 	snop;
	(pc) =	sbr.ind lr, $3  }
0x3a: {  	_ = 	snop  }
0x3b: {  	_ = 	snop  }
0x3c: {  	p2 =	seq.s32 s10, $0x1;
	s10 =	sld [smem:$0x3FB2]  }
0x3d: {  	_ =	shalt  }
0x3e: {  	_ =	shalt  }
0x3f: {  	_ =	shalt  }
0x40: {  	_ =	shalt  }
0x41: {  	_ =	shalt  }
0x42: {  	_ =	shalt  }
0x43: {  	_ =	shalt  }
0x44: {  	_ =	shalt  }
0x45: {  	_ =	shalt  }
0x46: {  	_ =	shalt  }
0x47: {  	_ =	shalt  }
0x48: {  	_ =	shalt  }
0x49: {  	_ =	shalt  }
0x4a: {  	_ =	shalt  }
0x4b: {  	_ =	shalt  }
0x4c: {  	_ =	shalt  }
0x4d: {  	_ =	shalt  }
0x4e: {  	_ =	shalt  }
0x4f: {  	_ =	shalt  }
0x50: {  	_ =	shalt  }
0x51: {  	_ =	shalt  }
0x52: {  	_ =	shalt  }
0x53: {  	_ =	shalt  }
0x54: {  	_ =	shalt  }
0x55: {  	_ =	shalt  }
0x56: {  	_ =	shalt  }
0x57: {  	_ =	shalt  }
0x58: {  	_ =	shalt  }
0x59: {  	_ =	shalt  }
0x5a: {  	_ =	shalt  }
0x5b: {  	_ =	shalt  }
0x5c: {  	_ =	shalt  }
0x5d: {  	_ =	shalt  }
0x5e: {  	_ =	shalt  }
0x5f: {  	_ =	shalt  }
0x60: {  	_ =	shalt  }
0x61: {  	_ =	shalt  }
0x62: {  	_ =	shalt  }
0x63: {  	_ =	shalt  }
0x64: {  	_ =	shalt  }
0x65: {  	_ =	shalt  }
0x66: {  	_ =	shalt  }
0x67: {  	_ =	shalt  }
0x68: {  	_ =	shalt  }
0x69: {  	_ =	shalt  }
0x6a: {  	_ =	shalt  }
0x6b: {  	_ =	shalt  }
0x6c: {  	_ =	shalt  }
0x6d: {  	_ =	shalt  }
0x6e: {  	_ =	shalt  }
0x6f: {  	_ =	shalt  }
0x70: {  	_ =	shalt  }
0x71: {  	_ =	shalt  }
0x72: {  	_ =	shalt  }
0x73: {  	_ =	shalt  }
0x74: {  	_ =	shalt  }
0x75: {  	_ =	shalt  }
0x76: {  	_ =	shalt  }
0x77: {  	_ =	shalt  }
0x78: {  	_ =	shalt  }
0x79: {  	_ =	shalt  }
0x7a: {  	_ =	shalt  }
0x7b: {  	_ =	shalt  }
0x7c: {  	_ =	shalt  }
0x7d: {  	_ =	shalt  }
0x7e: {  	_ =	shalt  }
0x7f: {  	_ =	shalt  }
0x80: {  	_ =	shalt  }
0x81: {  	_ =	shalt  }
0x82: {  	_ =	shalt  }
0x83: {  	_ =	shalt  }
0x84: {  	_ =	shalt  }
0x85: {  	_ =	shalt  }
0x86: {  	_ =	shalt  }
0x87: {  	_ =	shalt  }
.Lfunc_end0:
.L_simem_size_0:
called_computation.1_lowered:
.L_overlay_start_0:
0x88: {  	s2 =	sld [smem:$0x3FD9]  }
0x89: {  	s3 =	sld [smem:$0x3FFE];
	_ =	sdelay $0x1  }
0x8a: {  	s1 =	srdreg.scid  }
0x8b: {  	s0 =	sand.u32 $0x1, s1  }
0x8c: {  	s17 =	sshll.u32 s0, $0xA;
	s2 =	sadd.s32 s3, s2  }
0x8d: {  	s2 =	sadd.s32 s2, s17  }
0x8e: {  	[smem:$0x3FBE] =	sst s2  }
0x8f: {  	_ = 	snop  }
0x90: {  	s2 =	sld [smem:$0x3FD0];
	(tm) =	ssettm $0x1  }
0x91: {  	s18 =	sld [smem:$0x3FFB];
	_ =	sdelay $0x3  }
0x92: {  	_ =	strace s18  }
0x93: {  	s3 =	sld [smem:$0x3FFC];
	_ =	sdelay $0x3  }
0x94: {  	_ =	strace s3  }
0x95: {  	s3 =	sld [smem:$0x3FFD];
	_ =	sdelay $0x3  }
0x96: {  	_ =	strace s3  }
0x97: {  	_ =	strace $0x8FFFFFFF  }
0x98: {  	s19 =	sld [smem:$0x3FDB];
	_ =	sdelay $0x1  }
0x99: {  	s4 =	simm.s32 $_scs_section_size  }
0x9a: {  	s5 =	simm.s32 $_size__tile_overlayer_lowered;
	s6 =	simm.s32 $_tile_overlayer_lowered  }
0x9b: {  	s22 =	simm.s32 $0x1BFF;
	s21 =	sshll.u32 s6, $0x1;
	s3 =	sadd.s32 s4, s19  }
0x9c: {  	s7 =	simm.s32 $0x0;
	s20 =	sshll.u32 s5, $0x1;
	s5 =	sadd.s32 s21, s3  }
0x9d: {  	[timem:s7], [sflag:s22] =	dma.local [hbm:s5], s20  }
0x9e: {  	_ =	swait.ge [sflag:s22], s20  }
0x9f: {  	s4 =	ssub.s32 $0x0, s20;
	[sflag:s22] =	ssyncset.done $0x0  }
0xa0: {  	[sflag:s22] =	ssyncadd.s32 s4;
	_ =	sdelay $0x1  }
0xa1: {  	s23 =	simm.s32 $0x1B8B  }
0xa2: {  	_ =	swait.ge [sflag:s23], $0x1  }
0xa3: {  	[sflag:s23] =	ssyncset.done $0x0  }
0xa4: {  	s25 =	simm.s32 $0x1B8E;
	s24 =	sld [smem:$0x3FFE];
	[sflag:s23] =	ssyncadd.s32 $0xFFFFFFFF  }
0xa5: {  	s26 =	simm.s32 $execute0_lowered;
	[smem:$0x3FD2] =	sst s25  }
0xa6: {  	s5 =	sshll.u32 s26, $0x1;
	_ =	strace $0x80000049;
	[dreg:$0x1] =	wrdreg $0xFFFFFFFF  }
0xa7: {  	s28 =	simm.s32 $_size_execute0_lowered;
	s3 =	sadd.s32 s3, s5;
	[dreg:$0x0] =	wrdreg $0x0  }
0xa8: {  	s5 =	sshll.u32 s28, $0x1;
	[dreg:$0x2] =	wrdreg s3  }
0xa9: {  	[dreg:$0x3] =	wrdreg s5  }
0xaa: {  	[dreg:$0x4] =	wrdreg $0xC0  }
0xab: {  	_ =	task [dreg:s7], $0x5FFFF  }
0xac: {  	[dreg:$0x1] =	wrdreg $0xFFFFFFFF  }
0xad: {  	[dreg:$0x0] =	wrdreg $0x60  }
0xae: {  	[dreg:$0x2] =	wrdreg s24  }
0xaf: {  	[dreg:$0x3] =	wrdreg s2  }
0xb0: {  	[dreg:$0x4] =	wrdreg $0x0  }
0xb1: {  	[dreg:$0x5] =	wrdreg $0x9  }
0xb2: {  	_ =	task.clear_ibuf [dreg:s7], $0x6FFFF;
	_ =	strace $0x90000049  }
0xb3: {  	s29 =	simm.s32 $0x9;
	_ =	strace $0x8000004B  }
0xb4: {  	_ =	swait.ge [sflag:s29], $0x1  }
0xb5: {  	[sflag:s29] =	ssyncadd.s32 $0xFFFFFFFF  }
0xb6: {  	_ =	strace $0x9000004B  }
0xb7: {  	_ =	sfence  }
0xb8: {  	s30 =	sld [smem:$0x0];
	_ =	sdelay $0x2  }
0xb9: {  	s31 =	sshll.u32 s1, $0xD;
	s1 =	sshrl.u32 s1, $0x2  }
0xba: {  	s3 =	sand.u32 $0x4000, s31;
	s1 =	sadd.s32 s1, s30  }
0xbb: {  	s0 =	sor.u32 s3, s0;
	s1 =	sshll.u32 s1, $0x11  }
0xbc: {  	s0 =	sor.u32 s1, s0  }
0xbd: {  	s0 =	sadd.s32 $0x8F2B, s0  }
0xbe: {  	[sflag:s0] =	ssyncadd.remote.s32 $0x1  }
0xbf: {  	_ =	sfence.sel $0xFFFF  }
0xc0: {  	[dreg:$0x0] =	wrdreg $0xFFFFFFFF;
	(pc) =	sbr.abs _section_cstart, $3  }
0xc1: {  	[dreg:$0x1] =	wrdreg $0xFFFFFFFF  }
0xc2: {  	_ =	task.clear_ibuf [dreg:s7], $0x2FFFF;
	_ =	strace $0x9FFFFFFF  }
0xc3: {  	(tm) =	ssettm $0x7FFFFFFF  }
tec
execute0_lowered:
.L_overlay_start_1:
0x0: {  	(tag) =	ssettag $0x1  }
0x1: {  	s0 =	rddreg [dreg:$0x0]  }
0x2: {  	s1 =	rddreg [dreg:$0x1]  }
0x3: {  	s2 =	rddreg [dreg:$0x2];
	s4 =	srdreg.scid  }
0x4: {  	s16 =	stileid.u32;
	s3 =	simm.s32 $0x0;
	s29 =	simm.s32 $0x16880  }
0x5: {  	s30 =	simm.s32 $0x5;
	s4 =	sand.u32 $0x1, s4;
	s5 =	smul.u32 $0x2710, s16  }
0x6: {  	[smem:$0x7FF] =	sst s3;
	s7 =	sadd.s32 $0xBA00, s0;
	s19 =	smul.u32 $0x280, s16  }
0x7: {  	s8 =	sadd.s32 $0x6A00, s0;
	s0 =	sadd.s32 $0x589E00, s0;
	s18 =	smul.u32 $0x4E2, s16  }
0x8: {  	s31 =	simm.s32 $0x16800;
	s6 =	smul.u32 $0x27100, s4;
	_ =	strace $0x8000004A  }
0x9: {  	s9 =	ssub.s32 $0x2, s4;
	p0 =	seq.s32 s4, $0x0;
	s4 =	smul.u32 $0x2BF200, s4  }
0xa: {  	s10 =	sshrl.u32 s9, $0x1;
	s0 =	smov.u32 @p0 s1;
	s6 =	sadd.s32 s5, s6  }
0xb: {  	s9 =	ssub.s32 s9, s10;
	s5 =	sshrl.u32 s5, $0x3;
	s11 =	smul.u32 $0x12, s6  }
0xc: {  	s10 =	sadd.s32 $0x80, s19;
	s4 =	sadd.s32 s4, s7;
	s6 =	smul.u32 $0x90, s6  }
0xd: {  	s25 =	sadd.s32 s8, s5;
	s9 =	smax.u32 s9, $0x1;
	s21 =	smul.u32 $0x240, s10  }
0xe: {  	s5 =	sadd.s32 $0x4E0, s25;
	[dreg:$0x6] =	wrdreg s9;
	s28 =	sadd.s32 s7, s11  }
0xf: {  	[dreg:$0x4] =	wrdreg s5;
	s20 =	sshrl.u32 s6, $0x3;
	s6 =	smul.u32 $0x5A000, s16  }
0x10: {  	s11 =	smul.u32 $0x16800, s16;
	s9 =	sshrl.u32 s21, $0x2;
	s5 =	sadd.s32 s7, s20  }
0x11: {  	s19 =	sadd.s32 s9, s2;
	s7 =	simm.s32 $0x2;
	s9 =	simm.s32 $0x1F900  }
0x12: {  	s5 =	sadd.s32 $0x2BE00, s5;
	s12 =	sshrl.u32 s11, $0x3;
	s23 =	sadd.s32 $0xD800, s11  }
0x13: {  	s24 =	sadd.s32 $0x12000, s11;
	s17 =	sadd.s32 $0x24000, s6;
	[dreg:$0xd] =	wrdreg s19  }
0x14: {  	s21 =	sadd.s32 $0x36000, s6;
	[dreg:$0x5] =	wrdreg s5;
	s5 =	smul.u32 $0x90, s10  }
0x15: {  	s10 =	sadd.s32 $0x9000, s11;
	s22 =	sshrl.u32 s23, $0x3;
	s15 =	sshrl.u32 s24, $0x3  }
0x16: {  	s12 =	sadd.s32 s0, s12;
	s20 =	sshrl.u32 s17, $0x2;
	s23 =	sadd.s32 s23, s2  }
0x17: {  	s24 =	sadd.s32 s24, s2;
	s17 =	smov.u32 s25;
	s14 =	sshrl.u32 s10, $0x3  }
0x18: {  	[dreg:$0x7] =	wrdreg s12;
	s1 =	sadd.s32 s0, s22;
	s22 =	sshrl.u32 s21, $0x2  }
0x19: {  	s13 =	sshrl.u32 s5, $0x3;
	[dreg:$0xa] =	wrdreg s1;
	s21 =	sadd.s32 s5, s2  }
0x1a: {  	s5 =	simm.s32 $0x80;
	s26 =	sadd.s32 s0, s13;
	s13 =	sadd.s32 s0, s14  }
0x1b: {  	s0 =	sadd.s32 s0, s15;
	s14 =	smul.u32 $0x2BF20, s16;
	[dreg:$0x8] =	wrdreg s26  }
0x1c: {  	s15 =	sshrl.u32 s6, $0x2;
	s6 =	sadd.s32 $0x48000, s6;
	[dreg:$0x9] =	wrdreg s13  }
0x1d: {  	[dreg:$0xb] =	wrdreg s0;
	s1 =	sadd.s32 s15, s2;
	s0 =	sadd.s32 s18, s8  }
0x1e: {  	s26 =	sshrl.u32 s6, $0x2;
	s18 =	smov.u32 s28;
	s28 =	sadd.s32 $0x2B500, s28  }
0x1f: {  	s6 =	simm.s32 $0x1;
	s8 =	simm.s32 $0x3;
	s14 =	sadd.s32 s14, s4  }
0x20: {  	[dreg:$0xc] =	wrdreg s1;
	s1 =	sadd.s32 s20, s2;
	s19 =	sadd.s32 s26, s2  }
0x21: {  	s20 =	sadd.s32 s11, s2;
	s13 =	sadd.s32 $0x10, s0;
	s26 =	sadd.s32 $0x4D0, s25  }
0x22: {  	s0 =	simm.s32 $0x1B080;
	s4 =	simm.s32 $0x4;
	s11 =	simm.s32 $0x0  }
0x23: {  	[dreg:$0xe] =	wrdreg s1;
	s1 =	sadd.s32 s22, s2;
	s22 =	sadd.s32 s10, s2  }
0x24: {  	v0 =	vimm.f32 $0.0e+00;
	s10 =	simm.s32 $0x6;
	[dreg:$0xf] =	wrdreg s1;
	s1 =	simm.s32 $0x1B100  }
.LBB2_1:
0x25: {  	s12 =	simm.s32 $0x80;
	s25 =	simm.s32 $0x440  }
.LBB2_2:
0x26: {  	p1 =	sne.s32 s25, $0x11FC0;
	[tilespmem:s12+$0x16880] =	vst v0  }
0x27: {  	[tilespmem:s12+$0x16800] =	vst v0  }
0x28: {  	[tilespmem:s12+$0x16810] =	vst v0  }
0x29: {  	[tilespmem:s12+$0x16820] =	vst v0  }
.Ltmp0:
0x2a: {  	[tilespmem:s12+$0x16830] =	vst v0;
	(pc) =	sbr.rel @p1 .LBB2_2-.Ltmp0, $4  }
0x2b: {  	[tilespmem:s12+$0x16840] =	vst v0  }
0x2c: {  	[tilespmem:s12+$0x16850] =	vst v0  }
0x2d: {  	[tilespmem:s12+$0x16860] =	vst v0  }
0x2e: {  	[tilespmem:s12+$0x16870] =	vst v0;
	s12 =	sshra.s32 s25, $0x2;
	s25 =	sadd.s32 $0x240, s25  }
0x2f: {  	[tilespmem:s12+$0x16880] =	vst v0  }
0x30: {  	[tilespmem:s12+$0x16800] =	vst v0  }
0x31: {  	[tilespmem:s12+$0x16810] =	vst v0  }
0x32: {  	[tilespmem:s12+$0x16820] =	vst v0  }
0x33: {  	[tilespmem:s12+$0x16830] =	vst v0  }
0x34: {  	[tilespmem:s12+$0x16840] =	vst v0  }
0x35: {  	[tilespmem:s12+$0x16850] =	vst v0  }
0x36: {  	[tilespmem:s12+$0x16860] =	vst v0  }
0x37: {  	[tilespmem:s12+$0x16870] =	vst v0;
	s16 =	rddreg [dreg:$0xc]  }
0x38: {  	[spmem:s16] =	stream.linear.scatter [tilespmem:s29], [sflag:$0x5], $0x4800, $0x38;
	[tilespmem:$0x1F910] =	vst v63  }
0x39: {  	_ =	swait.ge [sflag:s30], $0x4800  }
0x3a: {  	[sflag:s30] =	ssyncset.done $0x0  }
0x3b: {  	s25 =	rddreg [dreg:$0xd];
	[sflag:s30] =	ssyncadd.s32 $0xFFFFB800  }
0x3c: {  	[spmem:s25] =	stream.linear.scatter [tilespmem:s29], [sflag:$0x5], $0x4800, $0x38;
	[tilespmem:$0x1F910] =	vst v63  }
0x3d: {  	_ =	swait.ge [sflag:s30], $0x4800  }
0x3e: {  	[sflag:s30] =	ssyncset.done $0x0  }
0x3f: {  	s15 =	rddreg [dreg:$0xe];
	[sflag:s30] =	ssyncadd.s32 $0xFFFFB800  }
0x40: {  	[spmem:s15] =	stream.linear.scatter [tilespmem:s29], [sflag:$0x5], $0x4800, $0x38;
	[tilespmem:$0x1F910] =	vst v63  }
0x41: {  	_ =	swait.ge [sflag:s30], $0x4800  }
0x42: {  	[sflag:s30] =	ssyncset.done $0x0  }
0x43: {  	s16 =	rddreg [dreg:$0xf];
	[sflag:s30] =	ssyncadd.s32 $0xFFFFB800  }
0x44: {  	[spmem:s16] =	stream.linear.scatter [tilespmem:s29], [sflag:$0x5], $0x4800, $0x38;
	[tilespmem:$0x1F910] =	vst v63  }
0x45: {  	_ =	swait.ge [sflag:s30], $0x4800  }
0x46: {  	[sflag:s30] =	ssyncset.done $0x0  }
0x47: {  	[sflag:s30] =	ssyncadd.s32 $0xFFFFB800  }
0x48: {  	[spmem:s19] =	stream.linear.scatter [tilespmem:s29], [sflag:$0x5], $0x4800, $0x38;
	[tilespmem:$0x1F910] =	vst v63  }
0x49: {  	_ =	swait.ge [sflag:s30], $0x4800  }
0x4a: {  	[sflag:s30] =	ssyncset.done $0x0  }
0x4b: {  	[sflag:s30] =	ssyncadd.s32 $0xFFFFB800  }
0x4c: {  	s25 =	simm.s32 $0x0;
	[bflag:$0x0] =	sbarrier.arrive $0xFFFF  }
0x4d: {  	[tilespmem:s31], [sflag:$0x1] =	stream.linear.gather [hbm4b:s17+s25], $0x80, $0x38;
	[tilespmem:$0x1F910] =	vst v63  }
0x4e: {  	_ = 	snop  }
0x4f: {  	[tilespmem:s29], [sflag:$0x2] =	stream.linear.gather [hbm4b:s18+s25], $0x4800, $0x38;
	[tilespmem:$0x1F910] =	vst v63  }
0x50: {  	s15 =	sadd.s32 $0x0, s14  }
0x51: {  	[tilespmem:s0], [sflag:$0x3] =	stream.linear.gather [hbm4b:s13+s3], $0x80, $0x38;
	[tilespmem:$0x1F910] =	vst v63  }
0x52: {  	s25 =	sadd.s32 $0x900, s15  }
0x53: {  	[tilespmem:s1], [sflag:$0x4] =	stream.linear.gather [hbm4b:s25+s3], $0x4800, $0x38;
	[tilespmem:$0x1F910] =	vst v63  }
0x54: {  	_ =	swait.ge [sflag:s6], $0x80  }
0x55: {  	[sflag:s6] =	ssyncset.done $0x0  }
0x56: {  	[sflag:s6] =	ssyncadd.s32 $0xFFFFFF80  }
0x57: {  	_ =	swait.ge [sflag:s7], $0x4800  }
0x58: {  	[sflag:s7] =	ssyncset.done $0x0  }
0x59: {  	[sflag:s7] =	ssyncadd.s32 $0xFFFFB800  }
0x5a: {  	[spmem:s2] =	stream.indirect.scatter.add.f32 [tilespmem:s29], [sflag:$0x5], $0x90, s31, s5, $0xb8;
	[tilespmem:$0x1F910] =	vst v63  }
0x5b: {  	_ =	swait.ge [sflag:s30], $0x4800  }
0x5c: {  	[sflag:s30] =	ssyncset.done $0x0  }
0x5d: {  	[sflag:s30] =	ssyncadd.s32 $0xFFFFB800  }
0x5e: {  	_ =	swait.ge [sflag:s8], $0x80  }
0x5f: {  	[sflag:s8] =	ssyncset.done $0x0  }
0x60: {  	[sflag:s8] =	ssyncadd.s32 $0xFFFFFF80  }
0x61: {  	_ =	swait.ge [sflag:s4], $0x4800  }
0x62: {  	[sflag:s4] =	ssyncset.done $0x0  }
0x63: {  	s16 =	sadd.s32 $0x10, s13;
	[sflag:s4] =	ssyncadd.s32 $0xFFFFB800  }
0x64: {  	[tilespmem:s31], [sflag:$0x1] =	stream.linear.gather [hbm4b:s16+s3], $0x80, $0x38;
	[tilespmem:$0x1F910] =	vst v63  }
0x65: {  	s12 =	sadd.s32 $0x1200, s15  }
0x66: {  	[tilespmem:s29], [sflag:$0x2] =	stream.linear.gather [hbm4b:s12+s3], $0x4800, $0x38;
	[tilespmem:$0x1F910] =	vst v63  }
0x67: {  	_ = 	snop  }
0x68: {  	[spmem:s2] =	stream.indirect.scatter.add.f32 [tilespmem:s1], [sflag:$0x5], $0x90, s0, s5, $0xb8;
	[tilespmem:$0x1F910] =	vst v63  }
0x69: {  	_ =	swait.ge [sflag:s30], $0x4800  }
0x6a: {  	s25 =	smov.u32 s13;
	s12 =	simm.s32 $0x1200;
	[sflag:s30] =	ssyncset.done $0x0  }
.LBB2_4:
0x6b: {  	p1 =	sne.s32 s12, $0x29A00;
	[sflag:s30] =	ssyncadd.s32 $0xFFFFB800;
	s25 =	sadd.s32 $0x20, s25  }
0x6c: {  	[tilespmem:s0], [sflag:$0x3] =	stream.linear.gather [hbm4b:s25+s3], $0x80, $0x38;
	[tilespmem:$0x1F910] =	vst v63  }
0x6d: {  	s15 =	sadd.s32 s12, s14;
	s12 =	sadd.s32 $0x1200, s12  }
0x6e: {  	s16 =	sadd.s32 $0x900, s15  }
0x6f: {  	[tilespmem:s1], [sflag:$0x4] =	stream.linear.gather [hbm4b:s16+s3], $0x4800, $0x38;
	[tilespmem:$0x1F910] =	vst v63  }
0x70: {  	_ =	swait.ge [sflag:s6], $0x80  }
0x71: {  	[sflag:s6] =	ssyncset.done $0x0  }
0x72: {  	[sflag:s6] =	ssyncadd.s32 $0xFFFFFF80  }
0x73: {  	_ =	swait.ge [sflag:s7], $0x4800  }
0x74: {  	[sflag:s7] =	ssyncset.done $0x0  }
0x75: {  	[sflag:s7] =	ssyncadd.s32 $0xFFFFB800  }
0x76: {  	[spmem:s2] =	stream.indirect.scatter.add.f32 [tilespmem:s29], [sflag:$0x5], $0x90, s31, s5, $0xb8;
	[tilespmem:$0x1F910] =	vst v63  }
0x77: {  	_ =	swait.ge [sflag:s30], $0x4800  }
0x78: {  	[sflag:s30] =	ssyncset.done $0x0  }
0x79: {  	[sflag:s30] =	ssyncadd.s32 $0xFFFFB800  }
0x7a: {  	_ =	swait.ge [sflag:s8], $0x80  }
0x7b: {  	[sflag:s8] =	ssyncset.done $0x0  }
0x7c: {  	[sflag:s8] =	ssyncadd.s32 $0xFFFFFF80  }
0x7d: {  	_ =	swait.ge [sflag:s4], $0x4800  }
0x7e: {  	[sflag:s4] =	ssyncset.done $0x0  }
0x7f: {  	s16 =	sadd.s32 $0x10, s25;
	[sflag:s4] =	ssyncadd.s32 $0xFFFFB800  }
0x80: {  	[tilespmem:s31], [sflag:$0x1] =	stream.linear.gather [hbm4b:s16+s3], $0x80, $0x38;
	[tilespmem:$0x1F910] =	vst v63  }
0x81: {  	s15 =	sadd.s32 $0x1200, s15  }
0x82: {  	[tilespmem:s29], [sflag:$0x2] =	stream.linear.gather [hbm4b:s15+s3], $0x4800, $0x38;
	[tilespmem:$0x1F910] =	vst v63  }
.Ltmp1:
0x83: {  	_ = 	snop;
	(pc) =	sbr.rel @p1 .LBB2_4-.Ltmp1, $4  }
0x84: {  	_ = 	snop  }
0x85: {  	[spmem:s2] =	stream.indirect.scatter.add.f32 [tilespmem:s1], [sflag:$0x5], $0x90, s0, s5, $0xb8;
	[tilespmem:$0x1F910] =	vst v63  }
0x86: {  	_ =	swait.ge [sflag:s30], $0x4800  }
0x87: {  	[sflag:s30] =	ssyncset.done $0x0  }
0x88: {  	[sflag:s30] =	ssyncadd.s32 $0xFFFFB800  }
0x89: {  	[tilespmem:s0], [sflag:$0x3] =	stream.linear.gather [hbm4b:s26+s3], $0x80, $0x38;
	[tilespmem:$0x1F910] =	vst v63  }
0x8a: {  	_ = 	snop  }
0x8b: {  	[tilespmem:s1], [sflag:$0x4] =	stream.linear.gather [hbm4b:s28+s3], $0x4800, $0x38;
	[tilespmem:$0x1F910] =	vst v63  }
0x8c: {  	_ =	swait.ge [sflag:s6], $0x80  }
0x8d: {  	[sflag:s6] =	ssyncset.done $0x0  }
0x8e: {  	[sflag:s6] =	ssyncadd.s32 $0xFFFFFF80  }
0x8f: {  	_ =	swait.ge [sflag:s7], $0x4800  }
0x90: {  	[sflag:s7] =	ssyncset.done $0x0  }
0x91: {  	[sflag:s7] =	ssyncadd.s32 $0xFFFFB800  }
0x92: {  	[spmem:s2] =	stream.indirect.scatter.add.f32 [tilespmem:s29], [sflag:$0x5], $0x90, s31, s5, $0xb8;
	[tilespmem:$0x1F910] =	vst v63  }
0x93: {  	_ =	swait.ge [sflag:s30], $0x4800  }
0x94: {  	[sflag:s30] =	ssyncset.done $0x0  }
0x95: {  	[sflag:s30] =	ssyncadd.s32 $0xFFFFB800  }
0x96: {  	_ =	swait.ge [sflag:s8], $0x80  }
0x97: {  	[sflag:s8] =	ssyncset.done $0x0  }
0x98: {  	[sflag:s8] =	ssyncadd.s32 $0xFFFFFF80  }
0x99: {  	_ =	swait.ge [sflag:s4], $0x4800  }
0x9a: {  	[sflag:s4] =	ssyncset.done $0x0  }
0x9b: {  	[sflag:s4] =	ssyncadd.s32 $0xFFFFB800  }
0x9c: {  	[spmem:s2] =	stream.indirect.scatter.add.f32 [tilespmem:s1], [sflag:$0x5], $0x90, s0, s5, $0xb8;
	[tilespmem:$0x1F910] =	vst v63  }
0x9d: {  	_ =	swait.ge [sflag:s30], $0x4800  }
0x9e: {  	[sflag:s30] =	ssyncset.done $0x0  }
0x9f: {  	s12 =	rddreg [dreg:$0x4];
	[sflag:s30] =	ssyncadd.s32 $0xFFFFB800  }
0xa0: {  	[tilespmem:s9], [sflag:$0x5] =	stream.linear.gather [hbm4b:s12+s3], $0x10, $0x38;
	[tilespmem:$0x1F910] =	vst v63  }
0xa1: {  	_ =	swait.ge [sflag:s30], $0x10  }
0xa2: {  	[sflag:s30] =	ssyncset.done $0x0  }
0xa3: {  	s15 =	rddreg [dreg:$0x5];
	[sflag:s30] =	ssyncadd.s32 $0xFFFFFFF0  }
0xa4: {  	[tilespmem:s29], [sflag:$0x5] =	stream.linear.gather [hbm4b:s15+s3], $0x900, $0x38;
	[tilespmem:$0x1F910] =	vst v63  }
0xa5: {  	_ =	swait.ge [sflag:s30], $0x900  }
0xa6: {  	[sflag:s30] =	ssyncset.done $0x0  }
0xa7: {  	s16 =	simm.s32 $0x10;
	[sflag:s30] =	ssyncadd.s32 $0xFFFFF700  }
0xa8: {  	[spmem:s2] =	stream.indirect.scatter.add.f32 [tilespmem:s29], [sflag:$0x5], $0x90, s9, s16, $0xb8;
	[tilespmem:$0x1F910] =	vst v63  }
0xa9: {  	_ =	swait.ge [sflag:s30], $0x900  }
0xaa: {  	[sflag:s30] =	ssyncset.done $0x0  }
0xab: {  	[sflag:s30] =	ssyncadd.s32 $0xFFFFF700  }
0xac: {  	[bflag:$0x0] =	sbarrier.arrive $0xFFFF  }
0xad: {  	[tilespmem:s29], [sflag:$0x6] =	stream.linear.gather [spmem:s20], $0x4800, $0x38;
	[tilespmem:$0x1F910] =	vst v63  }
0xae: {  	_ =	swait.ge [sflag:s10], $0x4800  }
0xaf: {  	s12 =	simm.s32 $0x6;
	[sflag:s10] =	ssyncset.done $0x0  }
0xb0: {  	s12 =	simm.s32 @!p0 $0x5;
	s15 =	rddreg [dreg:$0x7];
	[sflag:s10] =	ssyncadd.s32 $0xFFFFB800  }
0xb1: {  	[hbm4b:s15+s3] =	stream.linear.scatter [tilespmem:s29], [sflag:s12], $0x4800, $0x38;
	[tilespmem:$0x1F910] =	vst v63  }
0xb2: {  	_ =	swait.ge [sflag:s12], $0x4800  }
0xb3: {  	[sflag:s12] =	ssyncset.done $0x0  }
0xb4: {  	[sflag:s12] =	ssyncadd.s32 $0xFFFFB800  }
0xb5: {  	[tilespmem:s29], [sflag:$0x6] =	stream.linear.gather [spmem:s21], $0x4800, $0x38;
	[tilespmem:$0x1F910] =	vst v63  }
0xb6: {  	_ =	swait.ge [sflag:s10], $0x4800  }
0xb7: {  	[sflag:s10] =	ssyncset.done $0x0  }
0xb8: {  	s25 =	rddreg [dreg:$0x8];
	[sflag:s10] =	ssyncadd.s32 $0xFFFFB800  }
0xb9: {  	[hbm4b:s25+s3] =	stream.linear.scatter [tilespmem:s29], [sflag:s12], $0x4800, $0x38;
	[tilespmem:$0x1F910] =	vst v63  }
0xba: {  	_ =	swait.ge [sflag:s12], $0x4800  }
0xbb: {  	[sflag:s12] =	ssyncset.done $0x0  }
0xbc: {  	[sflag:s12] =	ssyncadd.s32 $0xFFFFB800  }
0xbd: {  	[tilespmem:s29], [sflag:$0x6] =	stream.linear.gather [spmem:s22], $0x4800, $0x38;
	[tilespmem:$0x1F910] =	vst v63  }
0xbe: {  	_ =	swait.ge [sflag:s10], $0x4800  }
0xbf: {  	[sflag:s10] =	ssyncset.done $0x0  }
0xc0: {  	s16 =	rddreg [dreg:$0x9];
	[sflag:s10] =	ssyncadd.s32 $0xFFFFB800  }
0xc1: {  	[hbm4b:s16+s3] =	stream.linear.scatter [tilespmem:s29], [sflag:s12], $0x4800, $0x38;
	[tilespmem:$0x1F910] =	vst v63  }
0xc2: {  	_ =	swait.ge [sflag:s12], $0x4800  }
0xc3: {  	[sflag:s12] =	ssyncset.done $0x0  }
0xc4: {  	[sflag:s12] =	ssyncadd.s32 $0xFFFFB800  }
0xc5: {  	[tilespmem:s29], [sflag:$0x6] =	stream.linear.gather [spmem:s23], $0x4800, $0x38;
	[tilespmem:$0x1F910] =	vst v63  }
0xc6: {  	_ =	swait.ge [sflag:s10], $0x4800  }
0xc7: {  	[sflag:s10] =	ssyncset.done $0x0  }
0xc8: {  	s25 =	rddreg [dreg:$0xa];
	[sflag:s10] =	ssyncadd.s32 $0xFFFFB800  }
0xc9: {  	[hbm4b:s25+s3] =	stream.linear.scatter [tilespmem:s29], [sflag:s12], $0x4800, $0x38;
	[tilespmem:$0x1F910] =	vst v63  }
0xca: {  	_ =	swait.ge [sflag:s12], $0x4800  }
0xcb: {  	[sflag:s12] =	ssyncset.done $0x0  }
0xcc: {  	[sflag:s12] =	ssyncadd.s32 $0xFFFFB800  }
0xcd: {  	[tilespmem:s29], [sflag:$0x6] =	stream.linear.gather [spmem:s24], $0x4800, $0x38;
	[tilespmem:$0x1F910] =	vst v63  }
0xce: {  	_ =	swait.ge [sflag:s10], $0x4800  }
0xcf: {  	[sflag:s10] =	ssyncset.done $0x0  }
0xd0: {  	s16 =	rddreg [dreg:$0xb];
	[sflag:s10] =	ssyncadd.s32 $0xFFFFB800  }
0xd1: {  	[hbm4b:s16+s3] =	stream.linear.scatter [tilespmem:s29], [sflag:s12], $0x4800, $0x38;
	[tilespmem:$0x1F910] =	vst v63  }
0xd2: {  	_ =	swait.ge [sflag:s12], $0x4800  }
0xd3: {  	s11 =	sadd.s32 $0x1, s11;
	s25 =	rddreg [dreg:$0x6]  }
0xd4: {  	p1 =	sne.s32 s11, s25  }
.Ltmp2:
0xd5: {  	_ = 	snop;
	(pc) =	sbr.rel @p1 .LBB2_1-.Ltmp2, $3  }
0xd6: {  	_ =	sdelay $0x1  }
0xd7: {  	[sflag:s12] =	ssyncset.done $0x0  }
0xd8: {  	[sflag:s12] =	ssyncadd.s32 $0xFFFFB800  }
0xd9: {  	_ =	sfence.sel $0x180000  }
0xda: {  	[bflag:$0x0] =	sbarrier.arrive $0xFFFF  }
0xdb: {  	_ =	strace $0x9000004A  }
0xdc: {  	s0 =	stileid.u32;
	[bflag:$0x2] =	sbarrier.arrive $0xFFFF  }
0xdd: {  	p0 =	sne.s32 s0, $0x0;
	s0 =	rddreg [dreg:$0x3]  }
0xde: {  	s0 =	sadd.s32 @!p0 $0x100000, s0  }
0xdf: {  	[sflag:s0] =	ssyncadd.tile.s32 @!p0 $0x1;
	_ =	shalt  }
.Lfunc_end2:
_tile_overlayer_lowered:
.L_overlay_start_2:
0xe0: {  	(tag) =	ssettag $0x2  }
0xe1: {  	s0 =	rddreg [dreg:$0x0];
	s2 =	stileid.u32  }
0xe2: {  	s1 =	rddreg [dreg:$0x1];
	p0 =	sne.s32 s2, $0x0  }
0xe3: {  	s3 =	rddreg [dreg:$0x2];
	[bflag:$0x3] =	sbarrier.arrive $0xFFFF;
	s2 =	simm.s32 @!p0 $0x1C05  }
0xe4: {  	[timem:s3], [sflag:s2] =	dma.local @!p0 [hbm:s0], s1  }
0xe5: {  	s0 =	simm.s32 @!p0 $0x5  }
0xe6: {  	_ =	swait.ge @!p0 [sflag:s0], s1  }
0xe7: {  	s1 =	ssub.s32 @!p0 $0x0, s1;
	[sflag:s0] =	ssyncset.done @!p0 $0x0  }
0xe8: {  	[sflag:s0] =	ssyncadd.s32 @!p0 s1  }
0xe9: {  	[bflag:$0x3] =	sbarrier.arrive $0xFFFF  }
0xea: {  	_ =	shalt  }

// kernel: _run.7.cloned.1.call-start
scs
__scs_entry_jumppad:
0x0: {  	(pc) =	sbr.rel $0x88, $3  }
0x1: {  	(tag) =	ssettag $0x0;
	lr =	simm.s32 $0x1  }
0x2: {  	[smem:$0x3F97] =	sst lr;
	_ =	strace $0xD0000000  }
0x3: {  	_ = 	snop  }
0x4: {  	_ = 	snop  }
0x5: {  	_ = 	snop  }
0x6: {  	_ = 	snop  }
0x7: {  	_ = 	snop  }
__scs_overlays_trampoline_lowered:
0x8: {  	[smem:$0x3FA6] =	sst s0  }
0x9: {  	[smem:$0x3FA7] =	sst s1  }
0xa: {  	[smem:$0x3FA8] =	sst s2  }
0xb: {  	[smem:$0x3FA9] =	sst s3  }
0xc: {  	[smem:$0x3FAA] =	sst s4  }
0xd: {  	[smem:$0x3FAB] =	sst s5  }
0xe: {  	[smem:$0x3FAC] =	sst s6  }
0xf: {  	[smem:$0x3FAD] =	sst s7  }
0x10: {  	[smem:$0x3FAE] =	sst s8  }
0x11: {  	[smem:$0x3FAF] =	sst s9;
	s0 =	simm.s32 @!p0 $0x0  }
0x12: {  	s1 =	sld [smem:$0x3F95];
	s0 =	simm.s32 @p0 $0x1  }
0x13: {  	[smem:$0x3FB0] =	sst s0;
	s0 =	simm.s32 @!p1 $0x0  }
0x14: {  	s2 =	sld [smem:$0x3F94];
	s0 =	simm.s32 @p1 $0x1  }
0x15: {  	[smem:$0x3FB1] =	sst s0;
	s0 =	simm.s32 @!p2 $0x0  }
0x16: {  	s3 =	sld [smem:$0x3FDB];
	s0 =	simm.s32 @p2 $0x1  }
0x17: {  	s4 =	simm.s32 $0x1BF5;
	[smem:$0x3FB3] =	sst s0  }
0x18: {  	s0 =	sld [smem:$0x3F96];
	_ =	swait.ge [sflag:s4], $0x0  }
0x19: {  	s7 =	sld [smem:$0x3F97]  }
0x1a: {  	s8 =	sadd.s32 $0xFFFFE003, lr  }
0x1b: {  	s9 =	sadd.s32 $0xFFFFFEF7, lr;
	s5 =	simm.s32 $0xFFFFFFFF;
	p2 =	slt.u32 s8, $0xFFFFF086  }
0x1c: {  	p1 =	slt.u32 s9, $0xF7A;
	s5 =	simm.s32 @!p2 $0x0  }
0x1d: {  	s5 =	simm.s32 @p1 $0x1;
	p0 =	seq.s32 s7, s2  }
0x1e: {  	s7 =	smul.u32 @!p0 $0xF7A, s2;
	p2 =	seq.s32 @!p0 s5, $0x0  }
0x1f: {  	s9 =	smul.u32 $0xF7A, s1;
	s8 =	simm.s32 @!p0 $0x1BF5;
	p2 =	por !p2, p0  }
0x20: {  	[sflag:s8] =	ssyncset.s32 @!p0 $0xFFFFF086;
	s6 =	sadd.s32 @!p0 s3, s7;
	s7 =	simm.s32 @!p0 $0x108  }
0x21: {  	s3 =	sadd.s32 s3, s9;
	s6 =	sadd.s32 @!p0 $0x88, s6;
	s7 =	simm.s32 @p2 $0x1082  }
0x22: {  	[simem:s7], [sflag:s8] =	dma.local @!p0 [hbm:s6], $0xF7A  }
0x23: {  	s9 =	sor.u32 $0xD0000000, s2;
	s6 =	simm.s32 $0x108;
	_ =	swait.ge @!p0 [sflag:s8], $0x0  }
0x24: {  	s3 =	sadd.s32 $0x88, s3;
	s6 =	simm.s32 @!p1 $0x1082;
	[sflag:s4] =	ssyncset.s32 $0xFFFFF086  }
0x25: {  	[simem:s6], [sflag:s4] =	dma.local [hbm:s3], $0xF7A  }
0x26: {  	[smem:$0x3F97] =	sst s1;
	(tag) =	ssettag s2;
	_ =	strace s9  }
0x27: {  	s1 =	sld [smem:$0x3FA7]  }
0x28: {  	s2 =	sld [smem:$0x3FA8]  }
0x29: {  	s4 =	sld [smem:$0x3FAA]  }
0x2a: {  	p0 =	seq.s32 s5, $0x0;
	s5 =	sld [smem:$0x3FAB]  }
0x2b: {  	s6 =	sld [smem:$0x3FAC]  }
0x2c: {  	s7 =	sld [smem:$0x3FAD]  }
0x2d: {  	s3 =	simm.s32 $0x108;
	s8 =	sld [smem:$0x3FAE]  }
0x2e: {  	s3 =	simm.s32 @!p0 $0x1082;
	s9 =	sld [smem:$0x3FAF]  }
0x2f: {  	lr =	sadd.s32 s0, s3;
	s0 =	sld [smem:$0x3FA6]  }
0x30: {  	s3 =	sld [smem:$0x3FA9]  }
0x31: {  	[smem:$0x3FB2] =	sst s10  }
0x32: {  	s10 =	sld [smem:$0x3FB0];
	_ =	sdelay $0x3  }
0x33: {  	p0 =	seq.s32 s10, $0x1;
	s10 =	sld [smem:$0x3FB2];
	_ =	sdelay $0x3  }
0x34: {  	[smem:$0x3FB2] =	sst s10  }
0x35: {  	s10 =	sld [smem:$0x3FB1];
	_ =	sdelay $0x3  }
0x36: {  	p1 =	seq.s32 s10, $0x1;
	s10 =	sld [smem:$0x3FB2];
	_ =	sdelay $0x3  }
0x37: {  	[smem:$0x3FB2] =	sst s10  }
0x38: {  	s10 =	sld [smem:$0x3FB3]  }
0x39: {  	_ = 	snop;
	(pc) =	sbr.ind lr, $3  }
0x3a: {  	_ = 	snop  }
0x3b: {  	_ = 	snop  }
0x3c: {  	p2 =	seq.s32 s10, $0x1;
	s10 =	sld [smem:$0x3FB2]  }
0x3d: {  	_ =	shalt  }
0x3e: {  	_ =	shalt  }
0x3f: {  	_ =	shalt  }
0x40: {  	_ =	shalt  }
0x41: {  	_ =	shalt  }
0x42: {  	_ =	shalt  }
0x43: {  	_ =	shalt  }
0x44: {  	_ =	shalt  }
0x45: {  	_ =	shalt  }
0x46: {  	_ =	shalt  }
0x47: {  	_ =	shalt  }
0x48: {  	_ =	shalt  }
0x49: {  	_ =	shalt  }
0x4a: {  	_ =	shalt  }
0x4b: {  	_ =	shalt  }
0x4c: {  	_ =	shalt  }
0x4d: {  	_ =	shalt  }
0x4e: {  	_ =	shalt  }
0x4f: {  	_ =	shalt  }
0x50: {  	_ =	shalt  }
0x51: {  	_ =	shalt  }
0x52: {  	_ =	shalt  }
0x53: {  	_ =	shalt  }
0x54: {  	_ =	shalt  }
0x55: {  	_ =	shalt  }
0x56: {  	_ =	shalt  }
0x57: {  	_ =	shalt  }
0x58: {  	_ =	shalt  }
0x59: {  	_ =	shalt  }
0x5a: {  	_ =	shalt  }
0x5b: {  	_ =	shalt  }
0x5c: {  	_ =	shalt  }
0x5d: {  	_ =	shalt  }
0x5e: {  	_ =	shalt  }
0x5f: {  	_ =	shalt  }
0x60: {  	_ =	shalt  }
0x61: {  	_ =	shalt  }
0x62: {  	_ =	shalt  }
0x63: {  	_ =	shalt  }
0x64: {  	_ =	shalt  }
0x65: {  	_ =	shalt  }
0x66: {  	_ =	shalt  }
0x67: {  	_ =	shalt  }
0x68: {  	_ =	shalt  }
0x69: {  	_ =	shalt  }
0x6a: {  	_ =	shalt  }
0x6b: {  	_ =	shalt  }
0x6c: {  	_ =	shalt  }
0x6d: {  	_ =	shalt  }
0x6e: {  	_ =	shalt  }
0x6f: {  	_ =	shalt  }
0x70: {  	_ =	shalt  }
0x71: {  	_ =	shalt  }
0x72: {  	_ =	shalt  }
0x73: {  	_ =	shalt  }
0x74: {  	_ =	shalt  }
0x75: {  	_ =	shalt  }
0x76: {  	_ =	shalt  }
0x77: {  	_ =	shalt  }
0x78: {  	_ =	shalt  }
0x79: {  	_ =	shalt  }
0x7a: {  	_ =	shalt  }
0x7b: {  	_ =	shalt  }
0x7c: {  	_ =	shalt  }
0x7d: {  	_ =	shalt  }
0x7e: {  	_ =	shalt  }
0x7f: {  	_ =	shalt  }
0x80: {  	_ =	shalt  }
0x81: {  	_ =	shalt  }
0x82: {  	_ =	shalt  }
0x83: {  	_ =	shalt  }
0x84: {  	_ =	shalt  }
0x85: {  	_ =	shalt  }
0x86: {  	_ =	shalt  }
0x87: {  	_ =	shalt  }
.Lfunc_end0:
.L_simem_size_0:
called_computation_lowered:
.L_overlay_start_0:
0x88: {  	s2 =	sld [smem:$0x3FD9]  }
0x89: {  	s3 =	sld [smem:$0x3FFE];
	_ =	sdelay $0x1  }
0x8a: {  	s1 =	srdreg.scid  }
0x8b: {  	s0 =	sand.u32 $0x1, s1  }
0x8c: {  	s17 =	sshll.u32 s0, $0xA;
	s2 =	sadd.s32 s3, s2  }
0x8d: {  	s2 =	sadd.s32 s2, s17  }
0x8e: {  	[smem:$0x3FBE] =	sst s2  }
0x8f: {  	_ = 	snop  }
0x90: {  	s2 =	sld [smem:$0x3FD0];
	(tm) =	ssettm $0x1  }
0x91: {  	s18 =	sld [smem:$0x3FFB];
	_ =	sdelay $0x3  }
0x92: {  	_ =	strace s18  }
0x93: {  	s3 =	sld [smem:$0x3FFC];
	_ =	sdelay $0x3  }
0x94: {  	_ =	strace s3  }
0x95: {  	s3 =	sld [smem:$0x3FFD];
	_ =	sdelay $0x3  }
0x96: {  	_ =	strace s3  }
0x97: {  	_ =	strace $0x8FFFFFFF  }
0x98: {  	s19 =	sld [smem:$0x3FDB];
	_ =	sdelay $0x1  }
0x99: {  	s4 =	simm.s32 $_scs_section_size  }
0x9a: {  	s5 =	simm.s32 $_size__tile_overlayer_lowered;
	s6 =	simm.s32 $_tile_overlayer_lowered  }
0x9b: {  	s22 =	simm.s32 $0x1BFF;
	s21 =	sshll.u32 s6, $0x1;
	s3 =	sadd.s32 s4, s19  }
0x9c: {  	s7 =	simm.s32 $0x0;
	s20 =	sshll.u32 s5, $0x1;
	s5 =	sadd.s32 s21, s3  }
0x9d: {  	[timem:s7], [sflag:s22] =	dma.local [hbm:s5], s20  }
0x9e: {  	_ =	swait.ge [sflag:s22], s20  }
0x9f: {  	s4 =	ssub.s32 $0x0, s20;
	[sflag:s22] =	ssyncset.done $0x0  }
0xa0: {  	[sflag:s22] =	ssyncadd.s32 s4;
	_ =	sdelay $0x1  }
0xa1: {  	s23 =	simm.s32 $0x1B8B  }
0xa2: {  	_ =	swait.ge [sflag:s23], $0x1  }
0xa3: {  	[sflag:s23] =	ssyncset.done $0x0  }
0xa4: {  	s25 =	simm.s32 $0x1B8E;
	s24 =	sld [smem:$0x3FFE];
	[sflag:s23] =	ssyncadd.s32 $0xFFFFFFFF  }
0xa5: {  	s26 =	simm.s32 $execute0_lowered;
	[smem:$0x3FD2] =	sst s25  }
0xa6: {  	s5 =	sshll.u32 s26, $0x1;
	_ =	strace $0x80000046;
	[dreg:$0x1] =	wrdreg $0xFFFFFFFF  }
0xa7: {  	s28 =	simm.s32 $_size_execute0_lowered;
	s3 =	sadd.s32 s3, s5;
	[dreg:$0x0] =	wrdreg $0x0  }
0xa8: {  	s5 =	sshll.u32 s28, $0x1;
	[dreg:$0x2] =	wrdreg s3  }
0xa9: {  	[dreg:$0x3] =	wrdreg s5  }
0xaa: {  	[dreg:$0x4] =	wrdreg $0xC0  }
0xab: {  	_ =	task [dreg:s7], $0x5FFFF  }
0xac: {  	[dreg:$0x1] =	wrdreg $0xFFFFFFFF  }
0xad: {  	[dreg:$0x0] =	wrdreg $0x60  }
0xae: {  	[dreg:$0x2] =	wrdreg s24  }
0xaf: {  	[dreg:$0x3] =	wrdreg s2  }
0xb0: {  	[dreg:$0x4] =	wrdreg $0x9  }
0xb1: {  	_ =	task.clear_ibuf [dreg:s7], $0x5FFFF;
	_ =	strace $0x90000046  }
0xb2: {  	s29 =	simm.s32 $0x9;
	_ =	strace $0x80000048  }
0xb3: {  	_ =	swait.ge [sflag:s29], $0x1  }
0xb4: {  	[sflag:s29] =	ssyncadd.s32 $0xFFFFFFFF  }
0xb5: {  	_ =	strace $0x90000048  }
0xb6: {  	_ =	sfence  }
0xb7: {  	s30 =	sld [smem:$0x0];
	_ =	sdelay $0x2  }
0xb8: {  	s31 =	sshll.u32 s1, $0xD;
	s1 =	sshrl.u32 s1, $0x2  }
0xb9: {  	s3 =	sand.u32 $0x4000, s31;
	s1 =	sadd.s32 s1, s30  }
0xba: {  	s0 =	sor.u32 s3, s0;
	s1 =	sshll.u32 s1, $0x11  }
0xbb: {  	s0 =	sor.u32 s1, s0  }
0xbc: {  	s0 =	sadd.s32 $0x8F2B, s0  }
0xbd: {  	[sflag:s0] =	ssyncadd.remote.s32 $0x1  }
0xbe: {  	_ =	sfence.sel $0xFFFF  }
0xbf: {  	[dreg:$0x0] =	wrdreg $0xFFFFFFFF;
	(pc) =	sbr.abs _section_cstart, $3  }
0xc0: {  	[dreg:$0x1] =	wrdreg $0xFFFFFFFF  }
0xc1: {  	_ =	task.clear_ibuf [dreg:s7], $0x2FFFF;
	_ =	strace $0x9FFFFFFF  }
0xc2: {  	(tm) =	ssettm $0x7FFFFFFF  }
0xc3: {  	_ =	shalt  }
tec
execute0_lowered:
.L_overlay_start_1:
0x0: {  	(tag) =	ssettag $0x1  }
0x1: {  	s0 =	rddreg [dreg:$0x0]  }
0x2: {  	s2 =	rddreg [dreg:$0x1]  }
0x3: {  	s12 =	stileid.u32;
	s3 =	simm.s32 $0x0;
	s4 =	srdreg.scid  }
0x4: {  	s13 =	simm.s32 $0x1;
	s14 =	simm.s32 $0x2;
	s15 =	simm.s32 $0x5100  }
0x5: {  	s19 =	simm.s32 $0x15900;
	s20 =	simm.s32 $0x16100;
	s21 =	simm.s32 $0x16900  }
0x6: {  	s28 =	simm.s32 $0x19100;
	s29 =	simm.s32 $0x3;
	s1 =	smul.u32 $0x2710, s12  }
0x7: {  	s30 =	simm.s32 $0x4;
	s31 =	simm.s32 $0x5;
	s24 =	smul.u32 $0x27100, s12  }
0x8: {  	[smem:$0x7FF] =	sst s3;
	s6 =	sand.u32 $0x1, s4;
	s25 =	smul.u32 $0x4E200, s12  }
0x9: {  	s4 =	sadd.s32 $0xBA00, s0;
	s9 =	sadd.s32 $0xA7E00, s0;
	s10 =	smul.u32 $0x27100, s6  }
0xa: {  	s12 =	simm.s32 $0xD100;
	_ =	strace $0x80000047;
	s18 =	smul.u32 $0x2710, s6  }
0xb: {  	s7 =	ssub.s32 $0x2, s6;
	s23 =	smul.u32 $0x271000, s6;
	s5 =	sshrl.u32 s1, $0x3  }
0xc: {  	s6 =	smul.u32 $0x4E2000, s6;
	s8 =	sshrl.u32 s7, $0x1;
	s5 =	sadd.s32 s5, s0  }
0xd: {  	s0 =	sadd.s32 $0xA6BE00, s0;
	s7 =	ssub.s32 s7, s8;
	s1 =	sadd.s32 s1, s10  }
0xe: {  	s6 =	sadd.s32 s6, s9;
	s22 =	sadd.s32 $0x1A00, s5;
	s5 =	sadd.s32 $0x6A00, s5  }
0xf: {  	s1 =	sadd.s32 $0x2700, s1;
	s7 =	smax.u32 s7, $0x1;
	[dreg:$0x3] =	wrdreg s22  }
0x10: {  	s26 =	sadd.s32 s25, s6;
	s25 =	simm.s32 $0x18900;
	[dreg:$0x4] =	wrdreg s5  }
0x11: {  	s6 =	simm.s32 $0x7;
	s11 =	sshll.u32 s1, $0x5;
	[dreg:$0x7] =	wrdreg s7  }
0x12: {  	s1 =	sshll.u32 s1, $0x4;
	[dreg:$0x8] =	wrdreg s26;
	s5 =	simm.s32 $0x11100  }
.Ltmp0:
0x13: {  	s22 =	simm.s32 $0x17100;
	s26 =	simm.s32 $0x5080;
	(pc) =	sbr.rel .LBB2_1-.Ltmp0, $4  }
0x14: {  	s7 =	simm.s32 $0x8;
	s11 =	sadd.s32 s9, s11;
	s1 =	sadd.s32 s0, s1  }
0x15: {  	v3 =	vlaneseq.u32;
	s0 =	sadd.s32 s23, s0;
	s23 =	simm.s32 $0x17900;
	[dreg:$0x5] =	wrdreg s11  }
0x16: {  	vm0 =	vmmov $0xffff;
	v1 =	vand.u32 $0x7, v3;
	v2 =	vshrl.u32 v3, $0x3;
	s9 =	simm.s32 $0x0;
	[dreg:$0x6] =	wrdreg s1;
	s10 =	sadd.s32 s24, s0  }
0x17: {  	v3 =	vor.u32 $0x8, v3;
	v2 =	vmul.u32 $0x8, v2;
	v0 =	vmov s18;
	s0 =	simm.s32 $0x80;
	s24 =	simm.s32 $0x18100;
	s1 =	simm.s32 $0x6  }
.LBB2_5:
0x18: {  	v4 =	vld [tilespmem:$0x2700];
	_ =	sdelay $0x4  }
0x19: {  	v4 =	vadd.s32 v0, v4  }
0x1a: {  	[tilespmem:$0x1D100] =	vst v4  }
0x1b: {  	v4 =	vld [tilespmem:$0x1D100];
	_ =	sdelay $0x4  }
0x1c: {  	v5 =	vshll.u32 v4, $0x1  }
0x1d: {  	v4 =	vand.u32 $0x7, v4;
	v5 =	vand.u32 $0xFFFFFFF0, v5  }
0x1e: {  	v4 =	vor.u32 v4, v5  }
0x1f: {  	v5 =	vld [tilespmem:$0x4E80];
	v6 =	vperm.xlane v4, v1;
	_ =	sdelay $0x1  }
0x20: {  	v4 =	vperm.xlane v4, v3;
	v6 =	vadd.s32 v2, v6;
	_ =	sdelay $0x1  }
0x21: {  	v4 =	vadd.s32 v2, v4  }
0x22: {  	v5 =	vadd.s32 v0, v5  }
0x23: {  	s9 =	simm.s32 $0x1D200;
	[tilespmem:$0x1D180] =	vst v5  }
0x24: {  	[tilespmem:s9], [sflag:$0x1] =	stream.indirect_vreg.gather [hbm4b:s4+s3], $0x80, v6, vm0, $0xb8;
	[tilespmem:$0x1EA00] =	vst v63  }
0x25: {  	s8 =	simm.s32 $0x1DA00  }
0x26: {  	[tilespmem:s8], [sflag:$0x1] =	stream.indirect_vreg.gather [hbm4b:s4+s3], $0x80, v4, vm0, $0xb8;
	[tilespmem:$0x1EA00] =	vst v63  }
0x27: {  	s17 =	simm.s32 $0x10;
	s11 =	simm.s32 $0x1D180;
	s16 =	simm.s32 $0x1E200  }
0x28: {  	[tilespmem:s16], [sflag:$0x2] =	stream.indirect.gather [hbm4b:s2+s17], $0x80, s11, s17, $0xb8;
	[tilespmem:$0x1EA00] =	vst v63  }
0x29: {  	_ =	swait.ge [sflag:s13], $0x1000  }
0x2a: {  	[sflag:s13] =	ssyncset.done $0x0  }
0x2b: {  	[sflag:s13] =	ssyncadd.s32 $0xFFFFF000  }
0x2c: {  	_ =	swait.ge [sflag:s14], $0x800  }
0x2d: {  	[sflag:s14] =	ssyncset.done $0x0  }
0x2e: {  	s18 =	rddreg [dreg:$0x5];
	[sflag:s14] =	ssyncadd.s32 $0xFFFFF800  }
0x2f: {  	[hbm4b:s18+s3] =	stream.linear.scatter [tilespmem:s9], [sflag:$0x5], $0x1000, $0x38;
	[tilespmem:$0x1EA00] =	vst v63  }
0x30: {  	s11 =	rddreg [dreg:$0x6]  }
0x31: {  	[hbm4b:s11+s3] =	stream.linear.scatter [tilespmem:s16], [sflag:$0x6], $0x800, $0x38;
	[tilespmem:$0x1EA00] =	vst v63  }
0x32: {  	_ =	swait.ge [sflag:s31], $0x1000  }
0x33: {  	[sflag:s31] =	ssyncset.done $0x0  }
0x34: {  	[sflag:s31] =	ssyncadd.s32 $0xFFFFF000  }
0x35: {  	_ =	swait.ge [sflag:s1], $0x800  }
0x36: {  	s17 =	rddreg [dreg:$0x9]  }
0x37: {  	s18 =	rddreg [dreg:$0x7];
	s9 =	sadd.s32 $0x1, s17  }
0x38: {  	p0 =	sne.s32 s9, s18  }
.Ltmp1:
0x39: {  	_ = 	snop;
	(pc) =	sbr.rel @!p0 .LBB2_6-.Ltmp1, $3  }
0x3a: {  	_ =	sdelay $0x1  }
0x3b: {  	[sflag:s1] =	ssyncset.done $0x0  }
0x3c: {  	[sflag:s1] =	ssyncadd.s32 $0xFFFFF800  }
.LBB2_1:
0x3d: {  	[dreg:$0x9] =	wrdreg s9  }
0x3e: {  	s8 =	rddreg [dreg:$0x3]  }
0x3f: {  	[tilespmem:s3], [sflag:$0x1] =	stream.linear.gather [hbm4b:s8+s3], $0x2710, $0x38;
	[tilespmem:$0x1EA00] =	vst v63  }
0x40: {  	s16 =	rddreg [dreg:$0x4];
	s17 =	simm.s32 $0x2780  }
0x41: {  	[tilespmem:s17], [sflag:$0x2] =	stream.linear.gather [hbm4b:s16+s3], $0x2710, $0x38;
	[tilespmem:$0x1EA00] =	vst v63  }
0x42: {  	_ =	swait.ge [sflag:s13], $0x2710  }
0x43: {  	[sflag:s13] =	ssyncset.done $0x0  }
0x44: {  	[sflag:s13] =	ssyncadd.s32 $0xFFFFD8F0  }
0x45: {  	_ =	swait.ge [sflag:s14], $0x2710  }
0x46: {  	[sflag:s14] =	ssyncset.done $0x0  }
0x47: {  	[sflag:s14] =	ssyncadd.s32 $0xFFFFD8F0  }
0x48: {  	v4 =	vld [tilespmem:$0x0]  }
0x49: {  	v5 =	vld [tilespmem:$0x10]  }
0x4a: {  	v6 =	vld [tilespmem:$0x20]  }
0x4b: {  	v7 =	vld [tilespmem:$0x30]  }
0x4c: {  	v8 =	vld [tilespmem:$0x40]  }
0x4d: {  	v9 =	vld [tilespmem:$0x50]  }
0x4e: {  	v10 =	vld [tilespmem:$0x60];
	v4 =	vadd.s32 v0, v4  }
0x4f: {  	[tilespmem:$0x4F00] =	vst v4;
	v4 =	vadd.s32 v0, v5;
	v5 =	vld [tilespmem:$0x70]  }
0x50: {  	[tilespmem:$0x4F10] =	vst v4;
	v4 =	vadd.s32 v0, v6;
	v56 =	vld [tilespmem:$0x4F00]  }
0x51: {  	v57 =	vld [tilespmem:$0x2780];
	[tilespmem:$0x4F20] =	vst v4;
	v4 =	vadd.s32 v0, v7  }
0x52: {  	v58 =	vld [tilespmem:$0x2790];
	[tilespmem:$0x4F30] =	vst v4;
	v4 =	vadd.s32 v0, v8  }
0x53: {  	v59 =	vld [tilespmem:$0x27A0];
	[tilespmem:$0x4F40] =	vst v4;
	v4 =	vadd.s32 v0, v9  }
0x54: {  	v60 =	vld [tilespmem:$0x27B0];
	[tilespmem:$0x4F50] =	vst v4;
	v4 =	vadd.s32 v0, v10  }
0x55: {  	[tilespmem:$0x4F60] =	vst v4;
	v4 =	vadd.s32 v0, v5;
	v5 =	vld [tilespmem:$0x27C0];
	v11 =	vshll.u32 v56, $0x1  }
0x56: {  	v61 =	vld [tilespmem:$0x27D0];
	v6 =	vand.u32 $0x7, v56;
	[tilespmem:$0x4F70] =	vst v4;
	v4 =	vadd.s32 v0, v57;
	v11 =	vand.u32 $0xFFFFFFF0, v11  }
0x57: {  	v62 =	vld [tilespmem:$0x27E0];
	[tilespmem:$0x4F80] =	vst v4;
	v4 =	vadd.s32 v0, v58;
	v6 =	vor.u32 v6, v11  }
0x58: {  	v63 =	vld [tilespmem:$0x27F0];
	[tilespmem:$0x4F90] =	vst v4;
	v4 =	vadd.s32 v0, v59;
	v11 =	vperm.xlane v6, v1  }
0x59: {  	[tilespmem:$0x4FA0] =	vst v4;
	v4 =	vadd.s32 v0, v60  }
0x5a: {  	v6 =	vperm.xlane v6, v3;
	[tilespmem:$0x4FB0] =	vst v4;
	v4 =	vadd.s32 v0, v5;
	v5 =	vadd.s32 v2, v11  }
0x5b: {  	[tilespmem:$0x4FC0] =	vst v4;
	v4 =	vadd.s32 v0, v61  }
0x5c: {  	v6 =	vadd.s32 v2, v6;
	[tilespmem:$0x4FD0] =	vst v4;
	v4 =	vadd.s32 v0, v62  }
0x5d: {  	[tilespmem:$0x4FE0] =	vst v4;
	v4 =	vadd.s32 v0, v63  }
0x5e: {  	[tilespmem:$0x4FF0] =	vst v4  }
0x5f: {  	[tilespmem:s15], [sflag:$0x1] =	stream.indirect_vreg.gather [hbm4b:s4+s3], $0x80, v5, vm0, $0xb8;
	[tilespmem:$0x1EA00] =	vst v63  }
0x60: {  	s18 =	simm.s32 $0x5900  }
0x61: {  	[tilespmem:s18], [sflag:$0x1] =	stream.indirect_vreg.gather [hbm4b:s4+s3], $0x80, v6, vm0, $0xb8;
	[tilespmem:$0x1EA00] =	vst v63  }
0x62: {  	v4 =	vld [tilespmem:$0x4F10];
	_ =	sdelay $0x4  }
0x63: {  	v5 =	vshll.u32 v4, $0x1  }
0x64: {  	v4 =	vand.u32 $0x7, v4;
	v5 =	vand.u32 $0xFFFFFFF0, v5  }
0x65: {  	v4 =	vor.u32 v4, v5  }
0x66: {  	v5 =	vperm.xlane v4, v1;
	_ =	sdelay $0x1  }
0x67: {  	v4 =	vperm.xlane v4, v3;
	v5 =	vadd.s32 v2, v5;
	_ =	sdelay $0x1  }
0x68: {  	v4 =	vadd.s32 v2, v4;
	_ =	sdelay $0x1  }
0x69: {  	s9 =	simm.s32 $0x6100  }
0x6a: {  	[tilespmem:s9], [sflag:$0x1] =	stream.indirect_vreg.gather [hbm4b:s4+s3], $0x80, v5, vm0, $0xb8;
	[tilespmem:$0x1EA00] =	vst v63  }
0x6b: {  	s11 =	simm.s32 $0x6900  }
0x6c: {  	[tilespmem:s11], [sflag:$0x1] =	stream.indirect_vreg.gather [hbm4b:s4+s3], $0x80, v4, vm0, $0xb8;
	[tilespmem:$0x1EA00] =	vst v63  }
0x6d: {  	v4 =	vld [tilespmem:$0x4F20];
	_ =	sdelay $0x4  }
0x6e: {  	v5 =	vshll.u32 v4, $0x1  }
0x6f: {  	v4 =	vand.u32 $0x7, v4;
	v5 =	vand.u32 $0xFFFFFFF0, v5  }
0x70: {  	v4 =	vor.u32 v4, v5  }
0x71: {  	v5 =	vperm.xlane v4, v1;
	_ =	sdelay $0x1  }
0x72: {  	v4 =	vperm.xlane v4, v3;
	v5 =	vadd.s32 v2, v5;
	_ =	sdelay $0x1  }
0x73: {  	v4 =	vadd.s32 v2, v4;
	_ =	sdelay $0x1  }
0x74: {  	s16 =	simm.s32 $0x7100  }
0x75: {  	[tilespmem:s16], [sflag:$0x1] =	stream.indirect_vreg.gather [hbm4b:s4+s3], $0x80, v5, vm0, $0xb8;
	[tilespmem:$0x1EA00] =	vst v63  }
0x76: {  	s17 =	simm.s32 $0x7900  }
0x77: {  	[tilespmem:s17], [sflag:$0x1] =	stream.indirect_vreg.gather [hbm4b:s4+s3], $0x80, v4, vm0, $0xb8;
	[tilespmem:$0x1EA00] =	vst v63  }
0x78: {  	v4 =	vld [tilespmem:$0x4F30];
	_ =	sdelay $0x4  }
0x79: {  	v5 =	vshll.u32 v4, $0x1  }
0x7a: {  	v4 =	vand.u32 $0x7, v4;
	v5 =	vand.u32 $0xFFFFFFF0, v5  }
0x7b: {  	v4 =	vor.u32 v4, v5  }
0x7c: {  	v5 =	vperm.xlane v4, v1;
	_ =	sdelay $0x1  }
0x7d: {  	v4 =	vperm.xlane v4, v3;
	v5 =	vadd.s32 v2, v5;
	_ =	sdelay $0x1  }
0x7e: {  	v4 =	vadd.s32 v2, v4;
	_ =	sdelay $0x1  }
0x7f: {  	s18 =	simm.s32 $0x8100  }
0x80: {  	[tilespmem:s18], [sflag:$0x1] =	stream.indirect_vreg.gather [hbm4b:s4+s3], $0x80, v5, vm0, $0xb8;
	[tilespmem:$0x1EA00] =	vst v63  }
0x81: {  	s9 =	simm.s32 $0x8900  }
0x82: {  	[tilespmem:s9], [sflag:$0x1] =	stream.indirect_vreg.gather [hbm4b:s4+s3], $0x80, v4, vm0, $0xb8;
	[tilespmem:$0x1EA00] =	vst v63  }
0x83: {  	v4 =	vld [tilespmem:$0x4F40];
	_ =	sdelay $0x4  }
0x84: {  	v5 =	vshll.u32 v4, $0x1  }
0x85: {  	v4 =	vand.u32 $0x7, v4;
	v5 =	vand.u32 $0xFFFFFFF0, v5  }
0x86: {  	v4 =	vor.u32 v4, v5  }
0x87: {  	v5 =	vperm.xlane v4, v1;
	_ =	sdelay $0x1  }
0x88: {  	v4 =	vperm.xlane v4, v3;
	v5 =	vadd.s32 v2, v5;
	_ =	sdelay $0x1  }
0x89: {  	v4 =	vadd.s32 v2, v4;
	_ =	sdelay $0x1  }
0x8a: {  	s11 =	simm.s32 $0x9100  }
0x8b: {  	[tilespmem:s11], [sflag:$0x1] =	stream.indirect_vreg.gather [hbm4b:s4+s3], $0x80, v5, vm0, $0xb8;
	[tilespmem:$0x1EA00] =	vst v63  }
0x8c: {  	s16 =	simm.s32 $0x9900  }
0x8d: {  	[tilespmem:s16], [sflag:$0x1] =	stream.indirect_vreg.gather [hbm4b:s4+s3], $0x80, v4, vm0, $0xb8;
	[tilespmem:$0x1EA00] =	vst v63  }
0x8e: {  	v4 =	vld [tilespmem:$0x4F50];
	_ =	sdelay $0x4  }
0x8f: {  	v5 =	vshll.u32 v4, $0x1  }
0x90: {  	v4 =	vand.u32 $0x7, v4;
	v5 =	vand.u32 $0xFFFFFFF0, v5  }
0x91: {  	v4 =	vor.u32 v4, v5  }
0x92: {  	v5 =	vperm.xlane v4, v1;
	_ =	sdelay $0x1  }
0x93: {  	v4 =	vperm.xlane v4, v3;
	v5 =	vadd.s32 v2, v5;
	_ =	sdelay $0x1  }
0x94: {  	v4 =	vadd.s32 v2, v4;
	_ =	sdelay $0x1  }
0x95: {  	s17 =	simm.s32 $0xA100  }
0x96: {  	[tilespmem:s17], [sflag:$0x1] =	stream.indirect_vreg.gather [hbm4b:s4+s3], $0x80, v5, vm0, $0xb8;
	[tilespmem:$0x1EA00] =	vst v63  }
0x97: {  	s18 =	simm.s32 $0xA900  }
0x98: {  	[tilespmem:s18], [sflag:$0x1] =	stream.indirect_vreg.gather [hbm4b:s4+s3], $0x80, v4, vm0, $0xb8;
	[tilespmem:$0x1EA00] =	vst v63  }
0x99: {  	v4 =	vld [tilespmem:$0x4F60];
	_ =	sdelay $0x4  }
0x9a: {  	v5 =	vshll.u32 v4, $0x1  }
0x9b: {  	v4 =	vand.u32 $0x7, v4;
	v5 =	vand.u32 $0xFFFFFFF0, v5  }
0x9c: {  	v4 =	vor.u32 v4, v5  }
0x9d: {  	v5 =	vperm.xlane v4, v1;
	_ =	sdelay $0x1  }
0x9e: {  	v4 =	vperm.xlane v4, v3;
	v5 =	vadd.s32 v2, v5;
	_ =	sdelay $0x1  }
0x9f: {  	v4 =	vadd.s32 v2, v4;
	_ =	sdelay $0x1  }
0xa0: {  	s9 =	simm.s32 $0xB100  }
0xa1: {  	[tilespmem:s9], [sflag:$0x1] =	stream.indirect_vreg.gather [hbm4b:s4+s3], $0x80, v5, vm0, $0xb8;
	[tilespmem:$0x1EA00] =	vst v63  }
0xa2: {  	s11 =	simm.s32 $0xB900  }
0xa3: {  	[tilespmem:s11], [sflag:$0x1] =	stream.indirect_vreg.gather [hbm4b:s4+s3], $0x80, v4, vm0, $0xb8;
	[tilespmem:$0x1EA00] =	vst v63  }
0xa4: {  	v4 =	vld [tilespmem:$0x4F70];
	_ =	sdelay $0x4  }
0xa5: {  	v5 =	vshll.u32 v4, $0x1  }
0xa6: {  	v4 =	vand.u32 $0x7, v4;
	v5 =	vand.u32 $0xFFFFFFF0, v5  }
0xa7: {  	v4 =	vor.u32 v4, v5  }
0xa8: {  	v5 =	vperm.xlane v4, v1;
	_ =	sdelay $0x1  }
0xa9: {  	v5 =	vadd.s32 v2, v5  }
0xaa: {  	v4 =	vperm.xlane v4, v3;
	_ =	sdelay $0x1  }
0xab: {  	v4 =	vadd.s32 v2, v4  }
0xac: {  	s16 =	simm.s32 $0xC100  }
0xad: {  	[tilespmem:s16], [sflag:$0x1] =	stream.indirect_vreg.gather [hbm4b:s4+s3], $0x80, v5, vm0, $0xb8;
	[tilespmem:$0x1EA00] =	vst v63  }
.Ltmp2:
0xae: {  	_ = 	snop;
	(pc) =	sbr.rel .LBB2_2-.Ltmp2, $4  }
0xaf: {  	s8 =	simm.s32 $0xC0;
	s17 =	simm.s32 $0xC900;
	s18 =	simm.s32 $0x4F80  }
0xb0: {  	[tilespmem:s17], [sflag:$0x1] =	stream.indirect_vreg.gather [hbm4b:s4+s3], $0x80, v4, vm0, $0xb8;
	[tilespmem:$0x1EA00] =	vst v63  }
0xb1: {  	s9 =	simm.s32 $0x2840;
	s11 =	rddreg [dreg:$0x8];
	s16 =	simm.s32 $0x0  }
0xb2: {  	[tilespmem:s12], [sflag:$0x2] =	stream.indirect.gather [hbm4b:s2+s0], $0x80, s18, s0, $0xb8;
	[tilespmem:$0x1EA00] =	vst v63  }
.LBB2_4:
0xb3: {  	s16 =	sadd.s32 $0x1000, s16  }
0xb4: {  	_ =	swait.ge [sflag:s6], $0x8000;
	p0 =	sne.s32 s16, $0x27000  }
.Ltmp3:
0xb5: {  	[sflag:s6] =	ssyncset.done $0x0;
	(pc) =	sbr.rel @!p0 .LBB2_5-.Ltmp3, $4  }
0xb6: {  	[sflag:s6] =	ssyncadd.s32 $0xFFFF8000  }
0xb7: {  	_ =	swait.ge [sflag:s7], $0x4000  }
0xb8: {  	s11 =	sadd.s32 $0x2000, s11;
	[sflag:s7] =	ssyncset.done $0x0  }
0xb9: {  	s8 =	sadd.s32 $0x100, s8;
	s9 =	sadd.s32 $0x100, s9;
	[sflag:s7] =	ssyncadd.s32 $0xFFFFC000  }
.LBB2_2:
0xba: {  	v4 =	vld [tilespmem:s8+$0xFFFFFFC0];
	_ =	sdelay $0x4  }
0xbb: {  	v4 =	vadd.s32 v0, v4  }
0xbc: {  	[tilespmem:$0x5000] =	vst v4  }
0xbd: {  	v4 =	vld [tilespmem:s8+$0xFFFFFFD0];
	_ =	sdelay $0x4  }
0xbe: {  	v4 =	vadd.s32 v0, v4  }
0xbf: {  	[tilespmem:$0x5010] =	vst v4  }
0xc0: {  	v4 =	vld [tilespmem:s8+$0xFFFFFFE0];
	_ =	sdelay $0x4  }
0xc1: {  	v4 =	vadd.s32 v0, v4  }
0xc2: {  	[tilespmem:$0x5020] =	vst v4  }
0xc3: {  	v4 =	vld [tilespmem:s8+$0xFFFFFFF0];
	_ =	sdelay $0x4  }
0xc4: {  	v4 =	vadd.s32 v0, v4  }
0xc5: {  	[tilespmem:$0x5030] =	vst v4  }
0xc6: {  	v4 =	vld [tilespmem:s8+$0x0];
	_ =	sdelay $0x4  }
0xc7: {  	v4 =	vadd.s32 v0, v4  }
0xc8: {  	[tilespmem:$0x5040] =	vst v4  }
0xc9: {  	v4 =	vld [tilespmem:s8+$0x10];
	_ =	sdelay $0x4  }
0xca: {  	v4 =	vadd.s32 v0, v4  }
0xcb: {  	[tilespmem:$0x5050] =	vst v4  }
0xcc: {  	v4 =	vld [tilespmem:s8+$0x20];
	_ =	sdelay $0x4  }
0xcd: {  	v4 =	vadd.s32 v0, v4  }
0xce: {  	[tilespmem:$0x5060] =	vst v4  }
0xcf: {  	v4 =	vld [tilespmem:s8+$0x30];
	_ =	sdelay $0x4  }
0xd0: {  	v4 =	vadd.s32 v0, v4  }
0xd1: {  	[tilespmem:$0x5070] =	vst v4  }
0xd2: {  	v4 =	vld [tilespmem:s9+$0xFFFFFFC0];
	_ =	sdelay $0x4  }
0xd3: {  	v4 =	vadd.s32 v0, v4  }
0xd4: {  	[tilespmem:$0x5080] =	vst v4  }
0xd5: {  	v4 =	vld [tilespmem:s9+$0xFFFFFFD0];
	_ =	sdelay $0x4  }
0xd6: {  	v4 =	vadd.s32 v0, v4  }
0xd7: {  	[tilespmem:$0x5090] =	vst v4  }
0xd8: {  	v4 =	vld [tilespmem:s9+$0xFFFFFFE0];
	_ =	sdelay $0x4  }
0xd9: {  	v4 =	vadd.s32 v0, v4  }
0xda: {  	[tilespmem:$0x50A0] =	vst v4  }
0xdb: {  	v4 =	vld [tilespmem:s9+$0xFFFFFFF0];
	_ =	sdelay $0x4  }
0xdc: {  	v4 =	vadd.s32 v0, v4  }
0xdd: {  	[tilespmem:$0x50B0] =	vst v4  }
0xde: {  	v4 =	vld [tilespmem:s9+$0x0];
	_ =	sdelay $0x4  }
0xdf: {  	v4 =	vadd.s32 v0, v4  }
0xe0: {  	[tilespmem:$0x50C0] =	vst v4  }
0xe1: {  	v4 =	vld [tilespmem:s9+$0x10];
	_ =	sdelay $0x4  }
0xe2: {  	v4 =	vadd.s32 v0, v4  }
0xe3: {  	[tilespmem:$0x50D0] =	vst v4;
	v4 =	vld [tilespmem:$0x5000]  }
0xe4: {  	v5 =	vld [tilespmem:s9+$0x20];
	_ =	sdelay $0x3  }
0xe5: {  	v6 =	vshll.u32 v4, $0x1  }
0xe6: {  	v4 =	vand.u32 $0x7, v4;
	v5 =	vadd.s32 v0, v5;
	v6 =	vand.u32 $0xFFFFFFF0, v6  }
0xe7: {  	[tilespmem:$0x50E0] =	vst v5;
	v4 =	vor.u32 v4, v6  }
0xe8: {  	v5 =	vld [tilespmem:s9+$0x30];
	v6 =	vperm.xlane v4, v1;
	_ =	sdelay $0x1  }
0xe9: {  	v4 =	vperm.xlane v4, v3;
	v6 =	vadd.s32 v2, v6;
	_ =	sdelay $0x1  }
0xea: {  	v4 =	vadd.s32 v2, v4  }
0xeb: {  	v5 =	vadd.s32 v0, v5  }
0xec: {  	[tilespmem:$0x50F0] =	vst v5  }
0xed: {  	[tilespmem:s5], [sflag:$0x3] =	stream.indirect_vreg.gather [hbm4b:s4+s3], $0x80, v6, vm0, $0xb8;
	[tilespmem:$0x1EA00] =	vst v63  }
0xee: {  	s17 =	simm.s32 $0x11900  }
0xef: {  	[tilespmem:s17], [sflag:$0x3] =	stream.indirect_vreg.gather [hbm4b:s4+s3], $0x80, v4, vm0, $0xb8;
	[tilespmem:$0x1EA00] =	vst v63  }
0xf0: {  	v4 =	vld [tilespmem:$0x5010];
	_ =	sdelay $0x4  }
0xf1: {  	v5 =	vshll.u32 v4, $0x1  }
0xf2: {  	v4 =	vand.u32 $0x7, v4;
	v5 =	vand.u32 $0xFFFFFFF0, v5  }
0xf3: {  	v4 =	vor.u32 v4, v5  }
0xf4: {  	v5 =	vperm.xlane v4, v1;
	_ =	sdelay $0x1  }
0xf5: {  	v4 =	vperm.xlane v4, v3;
	v5 =	vadd.s32 v2, v5;
	_ =	sdelay $0x1  }
0xf6: {  	v4 =	vadd.s32 v2, v4;
	_ =	sdelay $0x1  }
0xf7: {  	s18 =	simm.s32 $0x12100  }
0xf8: {  	[tilespmem:s18], [sflag:$0x3] =	stream.indirect_vreg.gather [hbm4b:s4+s3], $0x80, v5, vm0, $0xb8;
	[tilespmem:$0x1EA00] =	vst v63  }
0xf9: {  	s18 =	simm.s32 $0x12900  }
0xfa: {  	[tilespmem:s18], [sflag:$0x3] =	stream.indirect_vreg.gather [hbm4b:s4+s3], $0x80, v4, vm0, $0xb8;
	[tilespmem:$0x1EA00] =	vst v63  }
0xfb: {  	v4 =	vld [tilespmem:$0x5020];
	_ =	sdelay $0x4  }
0xfc: {  	v5 =	vshll.u32 v4, $0x1  }
0xfd: {  	v4 =	vand.u32 $0x7, v4;
	v5 =	vand.u32 $0xFFFFFFF0, v5  }
0xfe: {  	v4 =	vor.u32 v4, v5  }
0xff: {  	v5 =	vperm.xlane v4, v1;
	_ =	sdelay $0x1  }
0x100: {  	v4 =	vperm.xlane v4, v3;
	v5 =	vadd.s32 v2, v5;
	_ =	sdelay $0x1  }
0x101: {  	v4 =	vadd.s32 v2, v4;
	_ =	sdelay $0x1  }
0x102: {  	s18 =	simm.s32 $0x13100  }
0x103: {  	[tilespmem:s18], [sflag:$0x3] =	stream.indirect_vreg.gather [hbm4b:s4+s3], $0x80, v5, vm0, $0xb8;
	[tilespmem:$0x1EA00] =	vst v63  }
0x104: {  	s18 =	simm.s32 $0x13900  }
0x105: {  	[tilespmem:s18], [sflag:$0x3] =	stream.indirect_vreg.gather [hbm4b:s4+s3], $0x80, v4, vm0, $0xb8;
	[tilespmem:$0x1EA00] =	vst v63  }
0x106: {  	v4 =	vld [tilespmem:$0x5030];
	_ =	sdelay $0x4  }
0x107: {  	v5 =	vshll.u32 v4, $0x1  }
0x108: {  	v4 =	vand.u32 $0x7, v4;
	v5 =	vand.u32 $0xFFFFFFF0, v5  }
0x109: {  	v4 =	vor.u32 v4, v5  }
0x10a: {  	v5 =	vperm.xlane v4, v1;
	_ =	sdelay $0x1  }
0x10b: {  	v4 =	vperm.xlane v4, v3;
	v5 =	vadd.s32 v2, v5;
	_ =	sdelay $0x1  }
0x10c: {  	v4 =	vadd.s32 v2, v4;
	_ =	sdelay $0x1  }
0x10d: {  	s18 =	simm.s32 $0x14100  }
0x10e: {  	[tilespmem:s18], [sflag:$0x3] =	stream.indirect_vreg.gather [hbm4b:s4+s3], $0x80, v5, vm0, $0xb8;
	[tilespmem:$0x1EA00] =	vst v63  }
0x10f: {  	s18 =	simm.s32 $0x14900  }
0x110: {  	[tilespmem:s18], [sflag:$0x3] =	stream.indirect_vreg.gather [hbm4b:s4+s3], $0x80, v4, vm0, $0xb8;
	[tilespmem:$0x1EA00] =	vst v63  }
0x111: {  	v4 =	vld [tilespmem:$0x5040];
	_ =	sdelay $0x4  }
0x112: {  	v5 =	vshll.u32 v4, $0x1  }
0x113: {  	v4 =	vand.u32 $0x7, v4;
	v5 =	vand.u32 $0xFFFFFFF0, v5  }
0x114: {  	v4 =	vor.u32 v4, v5  }
0x115: {  	v5 =	vperm.xlane v4, v1;
	_ =	sdelay $0x1  }
0x116: {  	v4 =	vperm.xlane v4, v3;
	v5 =	vadd.s32 v2, v5;
	_ =	sdelay $0x1  }
0x117: {  	v4 =	vadd.s32 v2, v4;
	_ =	sdelay $0x1  }
0x118: {  	s18 =	simm.s32 $0x15100  }
0x119: {  	[tilespmem:s18], [sflag:$0x3] =	stream.indirect_vreg.gather [hbm4b:s4+s3], $0x80, v5, vm0, $0xb8;
	[tilespmem:$0x1EA00] =	vst v63  }
0x11a: {  	_ = 	snop  }
0x11b: {  	[tilespmem:s19], [sflag:$0x3] =	stream.indirect_vreg.gather [hbm4b:s4+s3], $0x80, v4, vm0, $0xb8;
	[tilespmem:$0x1EA00] =	vst v63  }
0x11c: {  	v4 =	vld [tilespmem:$0x5050];
	_ =	sdelay $0x4  }
0x11d: {  	v5 =	vshll.u32 v4, $0x1  }
0x11e: {  	v4 =	vand.u32 $0x7, v4;
	v5 =	vand.u32 $0xFFFFFFF0, v5  }
0x11f: {  	v4 =	vor.u32 v4, v5  }
0x120: {  	v5 =	vperm.xlane v4, v1;
	_ =	sdelay $0x1  }
0x121: {  	v4 =	vperm.xlane v4, v3;
	v5 =	vadd.s32 v2, v5;
	_ =	sdelay $0x1  }
0x122: {  	v4 =	vadd.s32 v2, v4;
	_ =	sdelay $0x2  }
0x123: {  	[tilespmem:s20], [sflag:$0x3] =	stream.indirect_vreg.gather [hbm4b:s4+s3], $0x80, v5, vm0, $0xb8;
	[tilespmem:$0x1EA00] =	vst v63  }
0x124: {  	_ = 	snop  }
0x125: {  	[tilespmem:s21], [sflag:$0x3] =	stream.indirect_vreg.gather [hbm4b:s4+s3], $0x80, v4, vm0, $0xb8;
	[tilespmem:$0x1EA00] =	vst v63  }
0x126: {  	v4 =	vld [tilespmem:$0x5060];
	_ =	sdelay $0x4  }
0x127: {  	v5 =	vshll.u32 v4, $0x1  }
0x128: {  	v4 =	vand.u32 $0x7, v4;
	v5 =	vand.u32 $0xFFFFFFF0, v5  }
0x129: {  	v4 =	vor.u32 v4, v5  }
0x12a: {  	v5 =	vperm.xlane v4, v1;
	_ =	sdelay $0x1  }
0x12b: {  	v4 =	vperm.xlane v4, v3;
	v5 =	vadd.s32 v2, v5;
	_ =	sdelay $0x1  }
0x12c: {  	v4 =	vadd.s32 v2, v4;
	_ =	sdelay $0x2  }
0x12d: {  	[tilespmem:s22], [sflag:$0x3] =	stream.indirect_vreg.gather [hbm4b:s4+s3], $0x80, v5, vm0, $0xb8;
	[tilespmem:$0x1EA00] =	vst v63  }
0x12e: {  	_ = 	snop  }
0x12f: {  	[tilespmem:s23], [sflag:$0x3] =	stream.indirect_vreg.gather [hbm4b:s4+s3], $0x80, v4, vm0, $0xb8;
	[tilespmem:$0x1EA00] =	vst v63  }
0x130: {  	v4 =	vld [tilespmem:$0x5070];
	_ =	sdelay $0x4  }
0x131: {  	v5 =	vshll.u32 v4, $0x1  }
0x132: {  	v4 =	vand.u32 $0x7, v4;
	v5 =	vand.u32 $0xFFFFFFF0, v5  }
0x133: {  	v4 =	vor.u32 v4, v5  }
0x134: {  	v5 =	vperm.xlane v4, v1;
	_ =	sdelay $0x1  }
0x135: {  	v4 =	vperm.xlane v4, v3;
	v5 =	vadd.s32 v2, v5;
	_ =	sdelay $0x1  }
0x136: {  	v4 =	vadd.s32 v2, v4;
	_ =	sdelay $0x2  }
0x137: {  	[tilespmem:s24], [sflag:$0x3] =	stream.indirect_vreg.gather [hbm4b:s4+s3], $0x80, v5, vm0, $0xb8;
	[tilespmem:$0x1EA00] =	vst v63  }
0x138: {  	_ = 	snop  }
0x139: {  	[tilespmem:s25], [sflag:$0x3] =	stream.indirect_vreg.gather [hbm4b:s4+s3], $0x80, v4, vm0, $0xb8;
	[tilespmem:$0x1EA00] =	vst v63  }
0x13a: {  	_ = 	snop  }
0x13b: {  	[tilespmem:s28], [sflag:$0x4] =	stream.indirect.gather [hbm4b:s2+s0], $0x80, s26, s0, $0xb8;
	[tilespmem:$0x1EA00] =	vst v63  }
0x13c: {  	_ =	swait.ge [sflag:s13], $0x8000  }
0x13d: {  	[sflag:s13] =	ssyncset.done $0x0  }
0x13e: {  	[sflag:s13] =	ssyncadd.s32 $0xFFFF8000  }
0x13f: {  	_ =	swait.ge [sflag:s14], $0x4000  }
0x140: {  	[sflag:s14] =	ssyncset.done $0x0  }
0x141: {  	[sflag:s14] =	ssyncadd.s32 $0xFFFFC000  }
0x142: {  	[hbm4b:s11+s3] =	stream.linear.scatter [tilespmem:s15], [sflag:$0x5], $0x8000, $0x38;
	[tilespmem:$0x1EA00] =	vst v63  }
0x143: {  	s17 =	sadd.s32 s16, s10  }
0x144: {  	[hbm4b:s17+s3] =	stream.linear.scatter [tilespmem:s12], [sflag:$0x6], $0x4000, $0x38;
	[tilespmem:$0x1EA00] =	vst v63  }
0x145: {  	_ =	swait.ge [sflag:s29], $0x8000  }
0x146: {  	[sflag:s29] =	ssyncset.done $0x0  }
0x147: {  	[sflag:s29] =	ssyncadd.s32 $0xFFFF8000  }
0x148: {  	_ =	swait.ge [sflag:s30], $0x4000  }
0x149: {  	[sflag:s30] =	ssyncset.done $0x0  }
0x14a: {  	s18 =	sadd.s32 $0x1000, s11;
	[sflag:s30] =	ssyncadd.s32 $0xFFFFC000  }
0x14b: {  	[hbm4b:s18+s3] =	stream.linear.scatter [tilespmem:s5], [sflag:$0x7], $0x8000, $0x38;
	[tilespmem:$0x1EA00] =	vst v63  }
0x14c: {  	s17 =	sadd.s32 $0x800, s17  }
0x14d: {  	[hbm4b:s17+s3] =	stream.linear.scatter [tilespmem:s28], [sflag:$0x8], $0x4000, $0x38;
	[tilespmem:$0x1EA00] =	vst v63  }
0x14e: {  	p0 =	seq.s32 s16, $0x26000;
	_ =	swait.ge [sflag:s31], $0x8000  }
.Ltmp4:
0x14f: {  	[sflag:s31] =	ssyncset.done $0x0;
	(pc) =	sbr.rel @p0 .LBB2_4-.Ltmp4, $4  }
0x150: {  	[sflag:s31] =	ssyncadd.s32 $0xFFFF8000  }
0x151: {  	_ =	swait.ge [sflag:s1], $0x4000  }
0x152: {  	[sflag:s1] =	ssyncset.done $0x0  }
0x153: {  	[sflag:s1] =	ssyncadd.s32 $0xFFFFC000  }
0x154: {  	v4 =	vld [tilespmem:s8+$0x40];
	_ =	sdelay $0x4  }
0x155: {  	v4 =	vadd.s32 v0, v4  }
0x156: {  	[tilespmem:$0x4F00] =	vst v4  }
0x157: {  	v4 =	vld [tilespmem:s8+$0x50];
	_ =	sdelay $0x4  }
0x158: {  	v4 =	vadd.s32 v0, v4  }
0x159: {  	[tilespmem:$0x4F10] =	vst v4  }
0x15a: {  	v4 =	vld [tilespmem:s8+$0x60];
	_ =	sdelay $0x4  }
0x15b: {  	v4 =	vadd.s32 v0, v4  }
0x15c: {  	[tilespmem:$0x4F20] =	vst v4  }
0x15d: {  	v4 =	vld [tilespmem:s8+$0x70];
	_ =	sdelay $0x4  }
0x15e: {  	v4 =	vadd.s32 v0, v4  }
0x15f: {  	[tilespmem:$0x4F30] =	vst v4  }
0x160: {  	v4 =	vld [tilespmem:s8+$0x80];
	_ =	sdelay $0x4  }
0x161: {  	v4 =	vadd.s32 v0, v4  }
0x162: {  	[tilespmem:$0x4F40] =	vst v4  }
0x163: {  	v4 =	vld [tilespmem:s8+$0x90];
	_ =	sdelay $0x4  }
0x164: {  	v4 =	vadd.s32 v0, v4  }
0x165: {  	[tilespmem:$0x4F50] =	vst v4  }
0x166: {  	v4 =	vld [tilespmem:s8+$0xA0];
	_ =	sdelay $0x4  }
0x167: {  	v4 =	vadd.s32 v0, v4  }
0x168: {  	[tilespmem:$0x4F60] =	vst v4  }
0x169: {  	v4 =	vld [tilespmem:s8+$0xB0];
	_ =	sdelay $0x4  }
0x16a: {  	v4 =	vadd.s32 v0, v4  }
0x16b: {  	[tilespmem:$0x4F70] =	vst v4  }
0x16c: {  	v4 =	vld [tilespmem:s9+$0x40];
	_ =	sdelay $0x4  }
0x16d: {  	v4 =	vadd.s32 v0, v4  }
0x16e: {  	[tilespmem:$0x4F80] =	vst v4  }
0x16f: {  	v4 =	vld [tilespmem:s9+$0x50];
	_ =	sdelay $0x4  }
0x170: {  	v4 =	vadd.s32 v0, v4  }
0x171: {  	[tilespmem:$0x4F90] =	vst v4  }
0x172: {  	v4 =	vld [tilespmem:s9+$0x60];
	_ =	sdelay $0x4  }
0x173: {  	v4 =	vadd.s32 v0, v4  }
0x174: {  	[tilespmem:$0x4FA0] =	vst v4  }
0x175: {  	v4 =	vld [tilespmem:s9+$0x70];
	_ =	sdelay $0x4  }
0x176: {  	v4 =	vadd.s32 v0, v4  }
0x177: {  	[tilespmem:$0x4FB0] =	vst v4  }
0x178: {  	v4 =	vld [tilespmem:s9+$0x80];
	_ =	sdelay $0x4  }
0x179: {  	v4 =	vadd.s32 v0, v4  }
0x17a: {  	[tilespmem:$0x4FC0] =	vst v4  }
0x17b: {  	v4 =	vld [tilespmem:s9+$0x90];
	_ =	sdelay $0x4  }
0x17c: {  	v4 =	vadd.s32 v0, v4  }
0x17d: {  	[tilespmem:$0x4FD0] =	vst v4;
	v4 =	vld [tilespmem:$0x4F00]  }
0x17e: {  	v5 =	vld [tilespmem:s9+$0xA0];
	_ =	sdelay $0x3  }
0x17f: {  	v6 =	vshll.u32 v4, $0x1  }
0x180: {  	v4 =	vand.u32 $0x7, v4;
	v5 =	vadd.s32 v0, v5;
	v6 =	vand.u32 $0xFFFFFFF0, v6  }
0x181: {  	[tilespmem:$0x4FE0] =	vst v5;
	v4 =	vor.u32 v4, v6  }
0x182: {  	v5 =	vld [tilespmem:s9+$0xB0];
	v6 =	vperm.xlane v4, v1;
	_ =	sdelay $0x1  }
0x183: {  	v4 =	vperm.xlane v4, v3;
	v6 =	vadd.s32 v2, v6;
	_ =	sdelay $0x1  }
0x184: {  	v4 =	vadd.s32 v2, v4  }
0x185: {  	v5 =	vadd.s32 v0, v5  }
0x186: {  	[tilespmem:$0x4FF0] =	vst v5  }
0x187: {  	[tilespmem:s15], [sflag:$0x1] =	stream.indirect_vreg.gather [hbm4b:s4+s3], $0x80, v6, vm0, $0xb8;
	[tilespmem:$0x1EA00] =	vst v63  }
0x188: {  	s17 =	simm.s32 $0x5900  }
0x189: {  	[tilespmem:s17], [sflag:$0x1] =	stream.indirect_vreg.gather [hbm4b:s4+s3], $0x80, v4, vm0, $0xb8;
	[tilespmem:$0x1EA00] =	vst v63  }
0x18a: {  	v4 =	vld [tilespmem:$0x4F10];
	_ =	sdelay $0x4  }
0x18b: {  	v5 =	vshll.u32 v4, $0x1  }
0x18c: {  	v4 =	vand.u32 $0x7, v4;
	v5 =	vand.u32 $0xFFFFFFF0, v5  }
0x18d: {  	v4 =	vor.u32 v4, v5  }
0x18e: {  	v5 =	vperm.xlane v4, v1;
	_ =	sdelay $0x1  }
0x18f: {  	v4 =	vperm.xlane v4, v3;
	v5 =	vadd.s32 v2, v5;
	_ =	sdelay $0x1  }
0x190: {  	v4 =	vadd.s32 v2, v4;
	_ =	sdelay $0x1  }
0x191: {  	s18 =	simm.s32 $0x6100  }
0x192: {  	[tilespmem:s18], [sflag:$0x1] =	stream.indirect_vreg.gather [hbm4b:s4+s3], $0x80, v5, vm0, $0xb8;
	[tilespmem:$0x1EA00] =	vst v63  }
0x193: {  	s18 =	simm.s32 $0x6900  }
0x194: {  	[tilespmem:s18], [sflag:$0x1] =	stream.indirect_vreg.gather [hbm4b:s4+s3], $0x80, v4, vm0, $0xb8;
	[tilespmem:$0x1EA00] =	vst v63  }
0x195: {  	v4 =	vld [tilespmem:$0x4F20];
	_ =	sdelay $0x4  }
0x196: {  	v5 =	vshll.u32 v4, $0x1  }
0x197: {  	v4 =	vand.u32 $0x7, v4;
	v5 =	vand.u32 $0xFFFFFFF0, v5  }
0x198: {  	v4 =	vor.u32 v4, v5  }
0x199: {  	v5 =	vperm.xlane v4, v1;
	_ =	sdelay $0x1  }
0x19a: {  	v4 =	vperm.xlane v4, v3;
	v5 =	vadd.s32 v2, v5;
	_ =	sdelay $0x1  }
0x19b: {  	v4 =	vadd.s32 v2, v4;
	_ =	sdelay $0x1  }
0x19c: {  	s18 =	simm.s32 $0x7100  }
0x19d: {  	[tilespmem:s18], [sflag:$0x1] =	stream.indirect_vreg.gather [hbm4b:s4+s3], $0x80, v5, vm0, $0xb8;
	[tilespmem:$0x1EA00] =	vst v63  }
0x19e: {  	s18 =	simm.s32 $0x7900  }
0x19f: {  	[tilespmem:s18], [sflag:$0x1] =	stream.indirect_vreg.gather [hbm4b:s4+s3], $0x80, v4, vm0, $0xb8;
	[tilespmem:$0x1EA00] =	vst v63  }
0x1a0: {  	v4 =	vld [tilespmem:$0x4F30];
	_ =	sdelay $0x4  }
0x1a1: {  	v5 =	vshll.u32 v4, $0x1  }
0x1a2: {  	v4 =	vand.u32 $0x7, v4;
	v5 =	vand.u32 $0xFFFFFFF0, v5  }
0x1a3: {  	v4 =	vor.u32 v4, v5  }
0x1a4: {  	v5 =	vperm.xlane v4, v1;
	_ =	sdelay $0x1  }
0x1a5: {  	v4 =	vperm.xlane v4, v3;
	v5 =	vadd.s32 v2, v5;
	_ =	sdelay $0x1  }
0x1a6: {  	v4 =	vadd.s32 v2, v4;
	_ =	sdelay $0x1  }
0x1a7: {  	s18 =	simm.s32 $0x8100  }
0x1a8: {  	[tilespmem:s18], [sflag:$0x1] =	stream.indirect_vreg.gather [hbm4b:s4+s3], $0x80, v5, vm0, $0xb8;
	[tilespmem:$0x1EA00] =	vst v63  }
0x1a9: {  	s18 =	simm.s32 $0x8900  }
0x1aa: {  	[tilespmem:s18], [sflag:$0x1] =	stream.indirect_vreg.gather [hbm4b:s4+s3], $0x80, v4, vm0, $0xb8;
	[tilespmem:$0x1EA00] =	vst v63  }
0x1ab: {  	v4 =	vld [tilespmem:$0x4F40];
	_ =	sdelay $0x4  }
0x1ac: {  	v5 =	vshll.u32 v4, $0x1  }
0x1ad: {  	v4 =	vand.u32 $0x7, v4;
	v5 =	vand.u32 $0xFFFFFFF0, v5  }
0x1ae: {  	v4 =	vor.u32 v4, v5  }
0x1af: {  	v5 =	vperm.xlane v4, v1;
	_ =	sdelay $0x1  }
0x1b0: {  	v4 =	vperm.xlane v4, v3;
	v5 =	vadd.s32 v2, v5;
	_ =	sdelay $0x1  }
0x1b1: {  	v4 =	vadd.s32 v2, v4;
	_ =	sdelay $0x1  }
0x1b2: {  	s18 =	simm.s32 $0x9100  }
0x1b3: {  	[tilespmem:s18], [sflag:$0x1] =	stream.indirect_vreg.gather [hbm4b:s4+s3], $0x80, v5, vm0, $0xb8;
	[tilespmem:$0x1EA00] =	vst v63  }
0x1b4: {  	s18 =	simm.s32 $0x9900  }
0x1b5: {  	[tilespmem:s18], [sflag:$0x1] =	stream.indirect_vreg.gather [hbm4b:s4+s3], $0x80, v4, vm0, $0xb8;
	[tilespmem:$0x1EA00] =	vst v63  }
0x1b6: {  	v4 =	vld [tilespmem:$0x4F50];
	_ =	sdelay $0x4  }
0x1b7: {  	v5 =	vshll.u32 v4, $0x1  }
0x1b8: {  	v4 =	vand.u32 $0x7, v4;
	v5 =	vand.u32 $0xFFFFFFF0, v5  }
0x1b9: {  	v4 =	vor.u32 v4, v5  }
0x1ba: {  	v5 =	vperm.xlane v4, v1;
	_ =	sdelay $0x1  }
0x1bb: {  	v4 =	vperm.xlane v4, v3;
	v5 =	vadd.s32 v2, v5;
	_ =	sdelay $0x1  }
0x1bc: {  	v4 =	vadd.s32 v2, v4;
	_ =	sdelay $0x1  }
0x1bd: {  	s18 =	simm.s32 $0xA100  }
0x1be: {  	[tilespmem:s18], [sflag:$0x1] =	stream.indirect_vreg.gather [hbm4b:s4+s3], $0x80, v5, vm0, $0xb8;
	[tilespmem:$0x1EA00] =	vst v63  }
0x1bf: {  	s18 =	simm.s32 $0xA900  }
0x1c0: {  	[tilespmem:s18], [sflag:$0x1] =	stream.indirect_vreg.gather [hbm4b:s4+s3], $0x80, v4, vm0, $0xb8;
	[tilespmem:$0x1EA00] =	vst v63  }
0x1c1: {  	v4 =	vld [tilespmem:$0x4F60];
	_ =	sdelay $0x4  }
0x1c2: {  	v5 =	vshll.u32 v4, $0x1  }
0x1c3: {  	v4 =	vand.u32 $0x7, v4;
	v5 =	vand.u32 $0xFFFFFFF0, v5  }
0x1c4: {  	v4 =	vor.u32 v4, v5  }
0x1c5: {  	v5 =	vperm.xlane v4, v1;
	_ =	sdelay $0x1  }
0x1c6: {  	v4 =	vperm.xlane v4, v3;
	v5 =	vadd.s32 v2, v5;
	_ =	sdelay $0x1  }
0x1c7: {  	v4 =	vadd.s32 v2, v4;
	_ =	sdelay $0x1  }
0x1c8: {  	s18 =	simm.s32 $0xB100  }
0x1c9: {  	[tilespmem:s18], [sflag:$0x1] =	stream.indirect_vreg.gather [hbm4b:s4+s3], $0x80, v5, vm0, $0xb8;
	[tilespmem:$0x1EA00] =	vst v63  }
0x1ca: {  	s18 =	simm.s32 $0xB900  }
0x1cb: {  	[tilespmem:s18], [sflag:$0x1] =	stream.indirect_vreg.gather [hbm4b:s4+s3], $0x80, v4, vm0, $0xb8;
	[tilespmem:$0x1EA00] =	vst v63  }
0x1cc: {  	v4 =	vld [tilespmem:$0x4F70];
	_ =	sdelay $0x4  }
0x1cd: {  	v5 =	vshll.u32 v4, $0x1  }
0x1ce: {  	v4 =	vand.u32 $0x7, v4;
	v5 =	vand.u32 $0xFFFFFFF0, v5  }
0x1cf: {  	v4 =	vor.u32 v4, v5  }
0x1d0: {  	v5 =	vperm.xlane v4, v1;
	_ =	sdelay $0x1  }
0x1d1: {  	v5 =	vadd.s32 v2, v5  }
0x1d2: {  	v4 =	vperm.xlane v4, v3;
	_ =	sdelay $0x1  }
0x1d3: {  	v4 =	vadd.s32 v2, v4  }
0x1d4: {  	s18 =	simm.s32 $0xC100  }
0x1d5: {  	[tilespmem:s18], [sflag:$0x1] =	stream.indirect_vreg.gather [hbm4b:s4+s3], $0x80, v5, vm0, $0xb8;
	[tilespmem:$0x1EA00] =	vst v63  }
.Ltmp5:
0x1d6: {  	_ = 	snop;
	(pc) =	sbr.rel .LBB2_4-.Ltmp5, $4  }
0x1d7: {  	s18 =	simm.s32 $0xC900  }
0x1d8: {  	[tilespmem:s18], [sflag:$0x1] =	stream.indirect_vreg.gather [hbm4b:s4+s3], $0x80, v4, vm0, $0xb8;
	[tilespmem:$0x1EA00] =	vst v63  }
0x1d9: {  	s18 =	simm.s32 $0x4F80  }
0x1da: {  	[tilespmem:s12], [sflag:$0x2] =	stream.indirect.gather [hbm4b:s2+s0], $0x80, s18, s0, $0xb8;
	[tilespmem:$0x1EA00] =	vst v63  }
.LBB2_6:
0x1db: {  	_ =	sfence.sel $0x180000  }
0x1dc: {  	[bflag:$0x0] =	sbarrier.arrive $0xFFFF  }
0x1dd: {  	_ =	strace $0x90000047  }
0x1de: {  	s0 =	stileid.u32;
	[bflag:$0x2] =	sbarrier.arrive $0xFFFF  }
0x1df: {  	p0 =	sne.s32 s0, $0x0;
	s0 =	rddreg [dreg:$0x2]  }
0x1e0: {  	s0 =	sadd.s32 @!p0 $0x100000, s0  }
0x1e1: {  	[sflag:s0] =	ssyncadd.tile.s32 @!p0 $0x1;
	_ =	shalt  }
.Lfunc_end2:
_tile_overlayer_lowered:
.L_overlay_start_2:
0x1e2: {  	(tag) =	ssettag $0x2  }
0x1e3: {  	s0 =	rddreg [dreg:$0x0];
	s2 =	stileid.u32  }
0x1e4: {  	s1 =	rddreg [dreg:$0x1];
	p0 =	sne.s32 s2, $0x0  }
0x1e5: {  	s3 =	rddreg [dreg:$0x2];
	[bflag:$0x3] =	sbarrier.arrive $0xFFFF;
	s2 =	simm.s32 @!p0 $0x1C09  }
0x1e6: {  	[timem:s3], [sflag:s2] =	dma.local @!p0 [hbm:s0], s1  }
0x1e7: {  	s0 =	simm.s32 @!p0 $0x9  }
0x1e8: {  	_ =	swait.ge @!p0 [sflag:s0], s1  }
0x1e9: {  	s1 =	ssub.s32 @!p0 $0x0, s1;
	[sflag:s0] =	ssyncset.done @!p0 $0x0  }
0x1ea: {  	[sflag:s0] =	ssyncadd.s32 @!p0 s1  }
0x1eb: {  	[bflag:$0x3] =	sbarrier.arrive $0xFFFF  }
0x1ec: {  	_ =	shalt  }

</sc_bundles>
